<compile_context>
chip_gen: v7x
topology: tpu7x:2x2x1
jax: 0.10.2.dev20260603
libtpu: 0.0.44.dev20260713+nightly
codegen_flags: <defaults>
</compile_context>

<pallas_src>
import jax
import jax.numpy as jnp
from jax import lax
from jax.experimental import pallas as pl
from jax.experimental.pallas import tpu as pltpu
from jax.experimental.pallas import tpu_sc as plsc

B = 16384
L = 50
D = 32
LANES = 16
NC = 2
NS = 16
NW = NC * NS
BAGS_PER_W = B // NW
C = 16
NCHUNK = BAGS_PER_W // C
ROWS_PER_CHUNK = C * L
GCHUNKS = B // C
VOCAB = 1000000


def _bag_compute(rows_ref, idx_ref, out_ref, j):
    base = j * L
    acc0 = jnp.zeros((LANES,), jnp.float32)
    acc1 = jnp.zeros((LANES,), jnp.float32)
    for r in range(L):
        acc0 = acc0 + rows_ref[base + r, pl.ds(0, LANES)]
        acc1 = acc1 + rows_ref[base + r, pl.ds(LANES, LANES)]
    cnt = jnp.zeros((LANES,), jnp.int32)
    for off in (0, LANES, 2 * LANES):
        idx_v = idx_ref[pl.ds(base + off, LANES)]
        cnt = cnt + plsc.all_reduce_population_count(idx_v != 0)
    tail = idx_ref[pl.ds(base + L - LANES, LANES)]
    lane = lax.iota(jnp.int32, LANES)
    cnt = cnt + plsc.all_reduce_population_count((tail != 0) & (lane >= 14))
    denom = jnp.maximum(cnt.astype(jnp.float32), 1.0)
    out_ref[j, pl.ds(0, LANES)] = acc0 / denom
    out_ref[j, pl.ds(LANES, LANES)] = acc1 / denom


def _emb_bag_kernel(idx_rows, table, out,
                    idxf0, idxf1, rows0, rows1,
                    outb0, outb1, gsem0, gsem1, osem0, osem1):
    wid = lax.axis_index("s") * NC + lax.axis_index("c")
    w_chunk0 = wid * NCHUNK
    w_bag0 = wid * BAGS_PER_W

    idxf = (idxf0, idxf1)
    rows = (rows0, rows1)
    outb = (outb0, outb1)
    gsem = (gsem0, gsem1)
    osem = (osem0, osem1)

    def load_chunk(chunk, b):
        pltpu.sync_copy(idx_rows.at[w_chunk0 + chunk], idxf[b])
        pltpu.async_copy(table.at[idxf[b]], rows[b], gsem[b])

    for b in range(2):
        load_chunk(b, b)

    @pl.loop(0, NCHUNK, step=2)
    def _chunks(g):
        for b in range(2):
            chunk = g + b
            bag0 = w_bag0 + chunk * C
            pltpu.make_async_copy(table.at[idxf[b]], rows[b], gsem[b]).wait()

            @pl.when(chunk >= 2)
            def _():
                pltpu.make_async_copy(
                    outb[b], out.at[pl.ds(bag0, C)], osem[b]).wait()

            @pl.loop(0, C)
            def _bags(j):
                _bag_compute(rows[b], idxf[b], outb[b], j)

            pltpu.async_copy(outb[b], out.at[pl.ds(bag0, C)], osem[b])

            @pl.when(chunk + 2 < NCHUNK)
            def _():
                load_chunk(chunk + 2, b)

    for b in range(2):
        pltpu.make_async_copy(
            outb[b], out.at[pl.ds(0, C)], osem[b]).wait()


@jax.jit
def _emb_bag(idx_rows, table):
    mesh = plsc.VectorSubcoreMesh(core_axis_name="c", subcore_axis_name="s")
    return pl.kernel(
        _emb_bag_kernel,
        out_type=jax.ShapeDtypeStruct((B, D), jnp.float32),
        mesh=mesh,
        compiler_params=pltpu.CompilerParams(
            needs_layout_passes=False, use_tc_tiling_on_sc=False),
        scratch_types=[
            pltpu.VMEM((ROWS_PER_CHUNK,), jnp.int32),
            pltpu.VMEM((ROWS_PER_CHUNK,), jnp.int32),
            pltpu.VMEM((ROWS_PER_CHUNK, D), jnp.float32),
            pltpu.VMEM((ROWS_PER_CHUNK, D), jnp.float32),
            pltpu.VMEM((C, D), jnp.float32),
            pltpu.VMEM((C, D), jnp.float32),
            pltpu.SemaphoreType.DMA,
            pltpu.SemaphoreType.DMA,
            pltpu.SemaphoreType.DMA,
            pltpu.SemaphoreType.DMA,
        ],
    )(idx_rows, table)


def kernel(sentence, weight):
    idx_rows = (sentence.astype(jnp.int32) * 4).reshape(GCHUNKS, ROWS_PER_CHUNK)
    wpad = jnp.pad(weight, ((0, 0), (0, 128 - D)))
    w4 = wpad.reshape(4 * VOCAB, D)
    return _emb_bag(idx_rows, w4)

# --- scband reference (transcript-rebuilt; emitter-appended) ---
"""Pipeline reference for scband-bo-w-19069654794459 (READ-ONLY COPY).

The authoritative reference and input builder live on the scoring server;
editing this copy changes nothing except your own understanding.
"""

import jax, jax.numpy as jnp
import numpy as np

VOCAB = 1000000
EMBED_DIM = 32
BATCH = 16384
SEQ = 50
PADDING_IDX = 0


def setup_inputs(seed: int = 0) -> dict:
    key = jax.random.key(seed)
    k_idx, k_w = jax.random.split(key)
    sentence = jax.random.randint(k_idx, (BATCH, SEQ), 0, VOCAB, dtype=jnp.int64)
    weight = jax.random.normal(k_w, (VOCAB, EMBED_DIM), dtype=jnp.float32)
    # padding_idx row is initialized to zeros in nn.EmbeddingBag
    weight = weight.at[PADDING_IDX].set(0.0)
    return {"sentence": sentence, "weight": weight}


def reference(sentence, weight):
    # nn.EmbeddingBag(mode='mean', padding_idx=0) on a 2D input:
    # each row is a bag; padding_idx entries are excluded from the mean.
    emb = jnp.take(weight, sentence, axis=0)  # [B, L, D] gather
    mask = (sentence != PADDING_IDX).astype(weight.dtype)[..., None]  # [B, L, 1]
    summed = jnp.sum(emb * mask, axis=1)  # [B, D]
    count = jnp.sum(mask, axis=1)  # [B, 1]
    out = jnp.where(count > 0, summed / jnp.maximum(count, 1.0), 0.0)
    return out

if __name__ == "__main__":
    import jax
    _d = setup_inputs()
    print(jax.jit(kernel)(*tuple(_d.values())))

</pallas_src>

<mosaic_0001>
#map = affine_map<(d0, d1) -> (0, 0)>
module attributes {stable_mosaic.version = 14 : i64} {
  func.func @_emb_bag_kernel(%arg0: i32, %arg1: i32, %arg2: memref<1024x800xi32, #tpu.memory_space<hbm>>, %arg3: memref<4000000x32xf32, #tpu.memory_space<hbm>>, %arg4: memref<16384x32xf32, #tpu.memory_space<hbm>>, %arg5: memref<800xi32, #tpu.memory_space<vmem>>, %arg6: memref<800xi32, #tpu.memory_space<vmem>>, %arg7: memref<800x32xf32, #tpu.memory_space<vmem>>, %arg8: memref<800x32xf32, #tpu.memory_space<vmem>>, %arg9: memref<16x32xf32, #tpu.memory_space<vmem>>, %arg10: memref<16x32xf32, #tpu.memory_space<vmem>>, %arg11: memref<!tpu.dma_semaphore, #tpu.memory_space<semaphore_mem>>, %arg12: memref<!tpu.dma_semaphore, #tpu.memory_space<semaphore_mem>>, %arg13: memref<!tpu.dma_semaphore, #tpu.memory_space<semaphore_mem>>, %arg14: memref<!tpu.dma_semaphore, #tpu.memory_space<semaphore_mem>>) attributes {dimension_semantics = [#tpu.dimension_semantics<core_parallel>, #tpu.dimension_semantics<subcore_parallel>], iteration_bounds = array<i64: 2, 16>, scalar_prefetch = 0 : i64, scratch_operands = 10 : i64, tpu.core_type = #tpu.core_type<sc_vector_subcore>, window_params = [{transform_indices = #map}, {transform_indices = #map}, {transform_indices = #map}]} {
    %mul3A = arith.constant 2 : i32
    %mul3A_0 = arith.muli %arg1, %mul3A : i32
    %add3A = arith.addi %mul3A_0, %arg0 : i32
    %mul3A_1 = arith.constant 32 : i32
    %mul3A_2 = arith.muli %add3A, %mul3A_1 : i32
    %mul3A_3 = arith.constant 512 : i32
    %mul3A_4 = arith.muli %add3A, %mul3A_3 : i32
    %add3A_5 = arith.constant 0 : i32
    %add3A_6 = arith.addi %mul3A_2, %add3A_5 : i32
    "tpu.region"() ({
      %run_scoped3A = tpu.sem_alloc : memref<!tpu.dma_semaphore, #tpu.memory_space<semaphore_mem>>
      %dma_start3A_29 = arith.constant 0 : i32
      %dma_start3A_30 = tpu.memref_slice %arg2[%add3A_6, %dma_start3A_29] : memref<1024x800xi32, #tpu.memory_space<hbm>> -> memref<1x800xi32, #tpu.memory_space<hbm>>
      %dma_start3A_31 = tpu.memref_squeeze %dma_start3A_30 : memref<1x800xi32, #tpu.memory_space<hbm>> -> memref<800xi32, #tpu.memory_space<hbm>>
      %dma_start3A_32 = arith.constant 0 : i32
      %dma_start3A_33 = tpu.memref_slice %arg2[%add3A_6, %dma_start3A_32] : memref<1024x800xi32, #tpu.memory_space<hbm>> -> memref<1x800xi32, #tpu.memory_space<hbm>>
      %dma_start3A_34 = tpu.memref_squeeze %dma_start3A_33 : memref<1x800xi32, #tpu.memory_space<hbm>> -> memref<800xi32, #tpu.memory_space<hbm>>
      tpu.enqueue_dma source(%dma_start3A_34 : memref<800xi32, #tpu.memory_space<hbm>>) target(%arg5 : memref<800xi32, #tpu.memory_space<vmem>>) target_semaphore(%run_scoped3A : memref<!tpu.dma_semaphore, #tpu.memory_space<semaphore_mem>>)
      %dma_wait3A_35 = arith.constant 0 : i32
      %dma_wait3A_36 = tpu.memref_slice %arg2[%add3A_6, %dma_wait3A_35] : memref<1024x800xi32, #tpu.memory_space<hbm>> -> memref<1x800xi32, #tpu.memory_space<hbm>>
      %dma_wait3A_37 = tpu.memref_squeeze %dma_wait3A_36 : memref<1x800xi32, #tpu.memory_space<hbm>> -> memref<800xi32, #tpu.memory_space<hbm>>
      %dma_wait3A_38 = arith.constant 0 : i32
      %dma_wait3A_39 = tpu.memref_slice %arg2[%add3A_6, %dma_wait3A_38] : memref<1024x800xi32, #tpu.memory_space<hbm>> -> memref<1x800xi32, #tpu.memory_space<hbm>>
      %dma_wait3A_40 = tpu.memref_squeeze %dma_wait3A_39 : memref<1x800xi32, #tpu.memory_space<hbm>> -> memref<800xi32, #tpu.memory_space<hbm>>
      tpu.wait_dma2 semaphore(%run_scoped3A : memref<!tpu.dma_semaphore, #tpu.memory_space<semaphore_mem>>) src(%dma_wait3A_40 : memref<800xi32, #tpu.memory_space<hbm>>) dst(%arg5 : memref<800xi32, #tpu.memory_space<vmem>>)
      tpu.yield
    }) : () -> ()
    %dma_start3A = arith.constant 0 : i32
    %dma_start3A_7 = arith.constant 0 : i32
    %dma_start3A_8 = tpu.memref_slice %arg3[%dma_start3A, %dma_start3A_7] : memref<4000000x32xf32, #tpu.memory_space<hbm>> -> memref<4000000x32xf32, #tpu.memory_space<hbm>>
    tpu.enqueue_indirect_dma source(%dma_start3A_8 : memref<4000000x32xf32, #tpu.memory_space<hbm>>) target(%arg7 : memref<800x32xf32, #tpu.memory_space<vmem>>) offsets(%arg5 : memref<800xi32, #tpu.memory_space<vmem>>) semaphore(%arg11 : memref<!tpu.dma_semaphore, #tpu.memory_space<semaphore_mem>>)
    %add3A_9 = arith.constant 1 : i32
    %add3A_10 = arith.addi %mul3A_2, %add3A_9 : i32
    "tpu.region"() ({
      %run_scoped3A = tpu.sem_alloc : memref<!tpu.dma_semaphore, #tpu.memory_space<semaphore_mem>>
      %dma_start3A_29 = arith.constant 0 : i32
      %dma_start3A_30 = tpu.memref_slice %arg2[%add3A_10, %dma_start3A_29] : memref<1024x800xi32, #tpu.memory_space<hbm>> -> memref<1x800xi32, #tpu.memory_space<hbm>>
      %dma_start3A_31 = tpu.memref_squeeze %dma_start3A_30 : memref<1x800xi32, #tpu.memory_space<hbm>> -> memref<800xi32, #tpu.memory_space<hbm>>
      %dma_start3A_32 = arith.constant 0 : i32
      %dma_start3A_33 = tpu.memref_slice %arg2[%add3A_10, %dma_start3A_32] : memref<1024x800xi32, #tpu.memory_space<hbm>> -> memref<1x800xi32, #tpu.memory_space<hbm>>
      %dma_start3A_34 = tpu.memref_squeeze %dma_start3A_33 : memref<1x800xi32, #tpu.memory_space<hbm>> -> memref<800xi32, #tpu.memory_space<hbm>>
      tpu.enqueue_dma source(%dma_start3A_34 : memref<800xi32, #tpu.memory_space<hbm>>) target(%arg6 : memref<800xi32, #tpu.memory_space<vmem>>) target_semaphore(%run_scoped3A : memref<!tpu.dma_semaphore, #tpu.memory_space<semaphore_mem>>)
      %dma_wait3A_35 = arith.constant 0 : i32
      %dma_wait3A_36 = tpu.memref_slice %arg2[%add3A_10, %dma_wait3A_35] : memref<1024x800xi32, #tpu.memory_space<hbm>> -> memref<1x800xi32, #tpu.memory_space<hbm>>
      %dma_wait3A_37 = tpu.memref_squeeze %dma_wait3A_36 : memref<1x800xi32, #tpu.memory_space<hbm>> -> memref<800xi32, #tpu.memory_space<hbm>>
      %dma_wait3A_38 = arith.constant 0 : i32
      %dma_wait3A_39 = tpu.memref_slice %arg2[%add3A_10, %dma_wait3A_38] : memref<1024x800xi32, #tpu.memory_space<hbm>> -> memref<1x800xi32, #tpu.memory_space<hbm>>
      %dma_wait3A_40 = tpu.memref_squeeze %dma_wait3A_39 : memref<1x800xi32, #tpu.memory_space<hbm>> -> memref<800xi32, #tpu.memory_space<hbm>>
      tpu.wait_dma2 semaphore(%run_scoped3A : memref<!tpu.dma_semaphore, #tpu.memory_space<semaphore_mem>>) src(%dma_wait3A_40 : memref<800xi32, #tpu.memory_space<hbm>>) dst(%arg6 : memref<800xi32, #tpu.memory_space<vmem>>)
      tpu.yield
    }) : () -> ()
    %dma_start3A_11 = arith.constant 0 : i32
    %dma_start3A_12 = arith.constant 0 : i32
    %dma_start3A_13 = tpu.memref_slice %arg3[%dma_start3A_11, %dma_start3A_12] : memref<4000000x32xf32, #tpu.memory_space<hbm>> -> memref<4000000x32xf32, #tpu.memory_space<hbm>>
    tpu.enqueue_indirect_dma source(%dma_start3A_13 : memref<4000000x32xf32, #tpu.memory_space<hbm>>) target(%arg8 : memref<800x32xf32, #tpu.memory_space<vmem>>) offsets(%arg6 : memref<800xi32, #tpu.memory_space<vmem>>) semaphore(%arg12 : memref<!tpu.dma_semaphore, #tpu.memory_space<semaphore_mem>>)
    %scan3A = arith.constant 0 : i32
    %scan3A_14 = arith.constant 16 : i32
    %scan3A_15 = arith.addi %scan3A, %scan3A_14 : i32
    %scan3A_16 = arith.constant 1 : i32
    scf.for %scan3A_29 = %scan3A to %scan3A_15 step %scan3A_16  : i32 {
      %mul3A_30 = arith.constant 2 : i32
      %mul3A_31 = arith.muli %scan3A_29, %mul3A_30 : i32
      %add3A_32 = arith.constant 0 : i32
      %add3A_33 = arith.addi %add3A_32, %mul3A_31 : i32
      %add3A_34 = arith.constant 0 : i32
      %add3A_35 = arith.addi %add3A_33, %add3A_34 : i32
      %mul3A_36 = arith.constant 16 : i32
      %mul3A_37 = arith.muli %add3A_35, %mul3A_36 : i32
      %add3A_38 = arith.addi %mul3A_4, %mul3A_37 : i32
      %dma_wait3A_39 = arith.constant 0 : i32
      %dma_wait3A_40 = arith.constant 0 : i32
      %dma_wait3A_41 = tpu.memref_slice %arg3[%dma_wait3A_39, %dma_wait3A_40] : memref<4000000x32xf32, #tpu.memory_space<hbm>> -> memref<4000000x32xf32, #tpu.memory_space<hbm>>
      tpu.wait_indirect_dma semaphore(%arg11 : memref<!tpu.dma_semaphore, #tpu.memory_space<semaphore_mem>>) src(%dma_wait3A_41 : memref<4000000x32xf32, #tpu.memory_space<hbm>>) dst(%arg7 : memref<800x32xf32, #tpu.memory_space<vmem>>)
      %ge3A = arith.constant 2 : i32
      %ge3A_42 = arith.cmpi sge, %add3A_35, %ge3A : i32
      %convert_element_type3A = arith.extui %ge3A_42 : i1 to i32
      %cond3A = arith.constant 0 : i32
      %cond3A_43 = arith.cmpi ne, %convert_element_type3A, %cond3A : i32
      scf.if %cond3A_43 {
        %dma_wait3A_88 = arith.constant 0 : i32
        %dma_wait3A_89 = tpu.memref_slice %arg4[%add3A_38, %dma_wait3A_88] : memref<16384x32xf32, #tpu.memory_space<hbm>> -> memref<16x32xf32, #tpu.memory_space<hbm>>
        %dma_wait3A_90 = arith.constant 0 : i32
        %dma_wait3A_91 = tpu.memref_slice %arg4[%add3A_38, %dma_wait3A_90] : memref<16384x32xf32, #tpu.memory_space<hbm>> -> memref<16x32xf32, #tpu.memory_space<hbm>>
        tpu.wait_dma2 semaphore(%arg13 : memref<!tpu.dma_semaphore, #tpu.memory_space<semaphore_mem>>) src(%arg9 : memref<16x32xf32, #tpu.memory_space<vmem>>) dst(%dma_wait3A_91 : memref<16x32xf32, #tpu.memory_space<hbm>>)
      } else {
      }
      %scan3A_44 = arith.constant 0 : i32
      %scan3A_45 = arith.constant 16 : i32
      %scan3A_46 = arith.addi %scan3A_44, %scan3A_45 : i32
      %scan3A_47 = arith.constant 1 : i32
      scf.for %scan3A_88 = %scan3A_44 to %scan3A_46 step %scan3A_47  : i32 {
        %mul3A_89 = arith.constant 1 : i32
        %mul3A_90 = arith.muli %scan3A_88, %mul3A_89 : i32
        %add3A_91 = arith.constant 0 : i32
        %add3A_92 = arith.addi %add3A_91, %mul3A_90 : i32
        %mul3A_93 = arith.constant 50 : i32
        %mul3A_94 = arith.muli %add3A_92, %mul3A_93 : i32
        %broadcast_in_dim3A = arith.constant 0.000000e+00 : f32
        %broadcast_in_dim3A_95 = vector.broadcast %broadcast_in_dim3A : f32 to vector<16xf32>
        %broadcast_in_dim3A_96 = arith.constant 0.000000e+00 : f32
        %broadcast_in_dim3A_97 = vector.broadcast %broadcast_in_dim3A_96 : f32 to vector<16xf32>
        %add3A_98 = arith.constant 0 : i32
        %add3A_99 = arith.addi %mul3A_94, %add3A_98 : i32
        %get3A = arith.index_cast %add3A_99 : i32 to index
        %get3A_100 = arith.constant 0 : index
        %get3A_101 = tpu.vector_load %arg7[%get3A, %get3A_100] {strides = array<i32>} : memref<800x32xf32, #tpu.memory_space<vmem>>, vector<16xf32>,
        %add3A_102 = arith.addf %broadcast_in_dim3A_95, %get3A_101 : vector<16xf32>
        %add3A_103 = arith.constant 0 : i32
        %add3A_104 = arith.addi %mul3A_94, %add3A_103 : i32
        %get3A_105 = arith.index_cast %add3A_104 : i32 to index
        %get3A_106 = arith.constant 16 : index
        %get3A_107 = tpu.vector_load %arg7[%get3A_105, %get3A_106] {strides = array<i32>} : memref<800x32xf32, #tpu.memory_space<vmem>>, vector<16xf32>,
        %add3A_108 = arith.addf %broadcast_in_dim3A_97, %get3A_107 : vector<16xf32>
        %add3A_109 = arith.constant 1 : i32
        %add3A_110 = arith.addi %mul3A_94, %add3A_109 : i32
        %get3A_111 = arith.index_cast %add3A_110 : i32 to index
        %get3A_112 = arith.constant 0 : index
        %get3A_113 = tpu.vector_load %arg7[%get3A_111, %get3A_112] {strides = array<i32>} : memref<800x32xf32, #tpu.memory_space<vmem>>, vector<16xf32>,
        %add3A_114 = arith.addf %add3A_102, %get3A_113 : vector<16xf32>
        %add3A_115 = arith.constant 1 : i32
        %add3A_116 = arith.addi %mul3A_94, %add3A_115 : i32
        %get3A_117 = arith.index_cast %add3A_116 : i32 to index
        %get3A_118 = arith.constant 16 : index
        %get3A_119 = tpu.vector_load %arg7[%get3A_117, %get3A_118] {strides = array<i32>} : memref<800x32xf32, #tpu.memory_space<vmem>>, vector<16xf32>,
        %add3A_120 = arith.addf %add3A_108, %get3A_119 : vector<16xf32>
        %add3A_121 = arith.constant 2 : i32
        %add3A_122 = arith.addi %mul3A_94, %add3A_121 : i32
        %get3A_123 = arith.index_cast %add3A_122 : i32 to index
        %get3A_124 = arith.constant 0 : index
        %get3A_125 = tpu.vector_load %arg7[%get3A_123, %get3A_124] {strides = array<i32>} : memref<800x32xf32, #tpu.memory_space<vmem>>, vector<16xf32>,
        %add3A_126 = arith.addf %add3A_114, %get3A_125 : vector<16xf32>
        %add3A_127 = arith.constant 2 : i32
        %add3A_128 = arith.addi %mul3A_94, %add3A_127 : i32
        %get3A_129 = arith.index_cast %add3A_128 : i32 to index
        %get3A_130 = arith.constant 16 : index
        %get3A_131 = tpu.vector_load %arg7[%get3A_129, %get3A_130] {strides = array<i32>} : memref<800x32xf32, #tpu.memory_space<vmem>>, vector<16xf32>,
        %add3A_132 = arith.addf %add3A_120, %get3A_131 : vector<16xf32>
        %add3A_133 = arith.constant 3 : i32
        %add3A_134 = arith.addi %mul3A_94, %add3A_133 : i32
        %get3A_135 = arith.index_cast %add3A_134 : i32 to index
        %get3A_136 = arith.constant 0 : index
        %get3A_137 = tpu.vector_load %arg7[%get3A_135, %get3A_136] {strides = array<i32>} : memref<800x32xf32, #tpu.memory_space<vmem>>, vector<16xf32>,
        %add3A_138 = arith.addf %add3A_126, %get3A_137 : vector<16xf32>
        %add3A_139 = arith.constant 3 : i32
        %add3A_140 = arith.addi %mul3A_94, %add3A_139 : i32
        %get3A_141 = arith.index_cast %add3A_140 : i32 to index
        %get3A_142 = arith.constant 16 : index
        %get3A_143 = tpu.vector_load %arg7[%get3A_141, %get3A_142] {strides = array<i32>} : memref<800x32xf32, #tpu.memory_space<vmem>>, vector<16xf32>,
        %add3A_144 = arith.addf %add3A_132, %get3A_143 : vector<16xf32>
        %add3A_145 = arith.constant 4 : i32
        %add3A_146 = arith.addi %mul3A_94, %add3A_145 : i32
        %get3A_147 = arith.index_cast %add3A_146 : i32 to index
        %get3A_148 = arith.constant 0 : index
        %get3A_149 = tpu.vector_load %arg7[%get3A_147, %get3A_148] {strides = array<i32>} : memref<800x32xf32, #tpu.memory_space<vmem>>, vector<16xf32>,
        %add3A_150 = arith.addf %add3A_138, %get3A_149 : vector<16xf32>
        %add3A_151 = arith.constant 4 : i32
        %add3A_152 = arith.addi %mul3A_94, %add3A_151 : i32
        %get3A_153 = arith.index_cast %add3A_152 : i32 to index
        %get3A_154 = arith.constant 16 : index
        %get3A_155 = tpu.vector_load %arg7[%get3A_153, %get3A_154] {strides = array<i32>} : memref<800x32xf32, #tpu.memory_space<vmem>>, vector<16xf32>,
        %add3A_156 = arith.addf %add3A_144, %get3A_155 : vector<16xf32>
        %add3A_157 = arith.constant 5 : i32
        %add3A_158 = arith.addi %mul3A_94, %add3A_157 : i32
        %get3A_159 = arith.index_cast %add3A_158 : i32 to index
        %get3A_160 = arith.constant 0 : index
        %get3A_161 = tpu.vector_load %arg7[%get3A_159, %get3A_160] {strides = array<i32>} : memref<800x32xf32, #tpu.memory_space<vmem>>, vector<16xf32>,
        %add3A_162 = arith.addf %add3A_150, %get3A_161 : vector<16xf32>
        %add3A_163 = arith.constant 5 : i32
        %add3A_164 = arith.addi %mul3A_94, %add3A_163 : i32
        %get3A_165 = arith.index_cast %add3A_164 : i32 to index
        %get3A_166 = arith.constant 16 : index
        %get3A_167 = tpu.vector_load %arg7[%get3A_165, %get3A_166] {strides = array<i32>} : memref<800x32xf32, #tpu.memory_space<vmem>>, vector<16xf32>,
        %add3A_168 = arith.addf %add3A_156, %get3A_167 : vector<16xf32>
        %add3A_169 = arith.constant 6 : i32
        %add3A_170 = arith.addi %mul3A_94, %add3A_169 : i32
        %get3A_171 = arith.index_cast %add3A_170 : i32 to index
        %get3A_172 = arith.constant 0 : index
        %get3A_173 = tpu.vector_load %arg7[%get3A_171, %get3A_172] {strides = array<i32>} : memref<800x32xf32, #tpu.memory_space<vmem>>, vector<16xf32>,
        %add3A_174 = arith.addf %add3A_162, %get3A_173 : vector<16xf32>
        %add3A_175 = arith.constant 6 : i32
        %add3A_176 = arith.addi %mul3A_94, %add3A_175 : i32
        %get3A_177 = arith.index_cast %add3A_176 : i32 to index
        %get3A_178 = arith.constant 16 : index
        %get3A_179 = tpu.vector_load %arg7[%get3A_177, %get3A_178] {strides = array<i32>} : memref<800x32xf32, #tpu.memory_space<vmem>>, vector<16xf32>,
        %add3A_180 = arith.addf %add3A_168, %get3A_179 : vector<16xf32>
        %add3A_181 = arith.constant 7 : i32
        %add3A_182 = arith.addi %mul3A_94, %add3A_181 : i32
        %get3A_183 = arith.index_cast %add3A_182 : i32 to index
        %get3A_184 = arith.constant 0 : index
        %get3A_185 = tpu.vector_load %arg7[%get3A_183, %get3A_184] {strides = array<i32>} : memref<800x32xf32, #tpu.memory_space<vmem>>, vector<16xf32>,
        %add3A_186 = arith.addf %add3A_174, %get3A_185 : vector<16xf32>
        %add3A_187 = arith.constant 7 : i32
        %add3A_188 = arith.addi %mul3A_94, %add3A_187 : i32
        %get3A_189 = arith.index_cast %add3A_188 : i32 to index
        %get3A_190 = arith.constant 16 : index
        %get3A_191 = tpu.vector_load %arg7[%get3A_189, %get3A_190] {strides = array<i32>} : memref<800x32xf32, #tpu.memory_space<vmem>>, vector<16xf32>,
        %add3A_192 = arith.addf %add3A_180, %get3A_191 : vector<16xf32>
        %add3A_193 = arith.constant 8 : i32
        %add3A_194 = arith.addi %mul3A_94, %add3A_193 : i32
        %get3A_195 = arith.index_cast %add3A_194 : i32 to index
        %get3A_196 = arith.constant 0 : index
        %get3A_197 = tpu.vector_load %arg7[%get3A_195, %get3A_196] {strides = array<i32>} : memref<800x32xf32, #tpu.memory_space<vmem>>, vector<16xf32>,
        %add3A_198 = arith.addf %add3A_186, %get3A_197 : vector<16xf32>
        %add3A_199 = arith.constant 8 : i32
        %add3A_200 = arith.addi %mul3A_94, %add3A_199 : i32
        %get3A_201 = arith.index_cast %add3A_200 : i32 to index
        %get3A_202 = arith.constant 16 : index
        %get3A_203 = tpu.vector_load %arg7[%get3A_201, %get3A_202] {strides = array<i32>} : memref<800x32xf32, #tpu.memory_space<vmem>>, vector<16xf32>,
        %add3A_204 = arith.addf %add3A_192, %get3A_203 : vector<16xf32>
        %add3A_205 = arith.constant 9 : i32
        %add3A_206 = arith.addi %mul3A_94, %add3A_205 : i32
        %get3A_207 = arith.index_cast %add3A_206 : i32 to index
        %get3A_208 = arith.constant 0 : index
        %get3A_209 = tpu.vector_load %arg7[%get3A_207, %get3A_208] {strides = array<i32>} : memref<800x32xf32, #tpu.memory_space<vmem>>, vector<16xf32>,
        %add3A_210 = arith.addf %add3A_198, %get3A_209 : vector<16xf32>
        %add3A_211 = arith.constant 9 : i32
        %add3A_212 = arith.addi %mul3A_94, %add3A_211 : i32
        %get3A_213 = arith.index_cast %add3A_212 : i32 to index
        %get3A_214 = arith.constant 16 : index
        %get3A_215 = tpu.vector_load %arg7[%get3A_213, %get3A_214] {strides = array<i32>} : memref<800x32xf32, #tpu.memory_space<vmem>>, vector<16xf32>,
        %add3A_216 = arith.addf %add3A_204, %get3A_215 : vector<16xf32>
        %add3A_217 = arith.constant 10 : i32
        %add3A_218 = arith.addi %mul3A_94, %add3A_217 : i32
        %get3A_219 = arith.index_cast %add3A_218 : i32 to index
        %get3A_220 = arith.constant 0 : index
        %get3A_221 = tpu.vector_load %arg7[%get3A_219, %get3A_220] {strides = array<i32>} : memref<800x32xf32, #tpu.memory_space<vmem>>, vector<16xf32>,
        %add3A_222 = arith.addf %add3A_210, %get3A_221 : vector<16xf32>
        %add3A_223 = arith.constant 10 : i32
        %add3A_224 = arith.addi %mul3A_94, %add3A_223 : i32
        %get3A_225 = arith.index_cast %add3A_224 : i32 to index
        %get3A_226 = arith.constant 16 : index
        %get3A_227 = tpu.vector_load %arg7[%get3A_225, %get3A_226] {strides = array<i32>} : memref<800x32xf32, #tpu.memory_space<vmem>>, vector<16xf32>,
        %add3A_228 = arith.addf %add3A_216, %get3A_227 : vector<16xf32>
        %add3A_229 = arith.constant 11 : i32
        %add3A_230 = arith.addi %mul3A_94, %add3A_229 : i32
        %get3A_231 = arith.index_cast %add3A_230 : i32 to index
        %get3A_232 = arith.constant 0 : index
        %get3A_233 = tpu.vector_load %arg7[%get3A_231, %get3A_232] {strides = array<i32>} : memref<800x32xf32, #tpu.memory_space<vmem>>, vector<16xf32>,
        %add3A_234 = arith.addf %add3A_222, %get3A_233 : vector<16xf32>
        %add3A_235 = arith.constant 11 : i32
        %add3A_236 = arith.addi %mul3A_94, %add3A_235 : i32
        %get3A_237 = arith.index_cast %add3A_236 : i32 to index
        %get3A_238 = arith.constant 16 : index
        %get3A_239 = tpu.vector_load %arg7[%get3A_237, %get3A_238] {strides = array<i32>} : memref<800x32xf32, #tpu.memory_space<vmem>>, vector<16xf32>,
        %add3A_240 = arith.addf %add3A_228, %get3A_239 : vector<16xf32>
        %add3A_241 = arith.constant 12 : i32
        %add3A_242 = arith.addi %mul3A_94, %add3A_241 : i32
        %get3A_243 = arith.index_cast %add3A_242 : i32 to index
        %get3A_244 = arith.constant 0 : index
        %get3A_245 = tpu.vector_load %arg7[%get3A_243, %get3A_244] {strides = array<i32>} : memref<800x32xf32, #tpu.memory_space<vmem>>, vector<16xf32>,
        %add3A_246 = arith.addf %add3A_234, %get3A_245 : vector<16xf32>
        %add3A_247 = arith.constant 12 : i32
        %add3A_248 = arith.addi %mul3A_94, %add3A_247 : i32
        %get3A_249 = arith.index_cast %add3A_248 : i32 to index
        %get3A_250 = arith.constant 16 : index
        %get3A_251 = tpu.vector_load %arg7[%get3A_249, %get3A_250] {strides = array<i32>} : memref<800x32xf32, #tpu.memory_space<vmem>>, vector<16xf32>,
        %add3A_252 = arith.addf %add3A_240, %get3A_251 : vector<16xf32>
        %add3A_253 = arith.constant 13 : i32
        %add3A_254 = arith.addi %mul3A_94, %add3A_253 : i32
        %get3A_255 = arith.index_cast %add3A_254 : i32 to index
        %get3A_256 = arith.constant 0 : index
        %get3A_257 = tpu.vector_load %arg7[%get3A_255, %get3A_256] {strides = array<i32>} : memref<800x32xf32, #tpu.memory_space<vmem>>, vector<16xf32>,
        %add3A_258 = arith.addf %add3A_246, %get3A_257 : vector<16xf32>
        %add3A_259 = arith.constant 13 : i32
        %add3A_260 = arith.addi %mul3A_94, %add3A_259 : i32
        %get3A_261 = arith.index_cast %add3A_260 : i32 to index
        %get3A_262 = arith.constant 16 : index
        %get3A_263 = tpu.vector_load %arg7[%get3A_261, %get3A_262] {strides = array<i32>} : memref<800x32xf32, #tpu.memory_space<vmem>>, vector<16xf32>,
        %add3A_264 = arith.addf %add3A_252, %get3A_263 : vector<16xf32>
        %add3A_265 = arith.constant 14 : i32
        %add3A_266 = arith.addi %mul3A_94, %add3A_265 : i32
        %get3A_267 = arith.index_cast %add3A_266 : i32 to index
        %get3A_268 = arith.constant 0 : index
        %get3A_269 = tpu.vector_load %arg7[%get3A_267, %get3A_268] {strides = array<i32>} : memref<800x32xf32, #tpu.memory_space<vmem>>, vector<16xf32>,
        %add3A_270 = arith.addf %add3A_258, %get3A_269 : vector<16xf32>
        %add3A_271 = arith.constant 14 : i32
        %add3A_272 = arith.addi %mul3A_94, %add3A_271 : i32
        %get3A_273 = arith.index_cast %add3A_272 : i32 to index
        %get3A_274 = arith.constant 16 : index
        %get3A_275 = tpu.vector_load %arg7[%get3A_273, %get3A_274] {strides = array<i32>} : memref<800x32xf32, #tpu.memory_space<vmem>>, vector<16xf32>,
        %add3A_276 = arith.addf %add3A_264, %get3A_275 : vector<16xf32>
        %add3A_277 = arith.constant 15 : i32
        %add3A_278 = arith.addi %mul3A_94, %add3A_277 : i32
        %get3A_279 = arith.index_cast %add3A_278 : i32 to index
        %get3A_280 = arith.constant 0 : index
        %get3A_281 = tpu.vector_load %arg7[%get3A_279, %get3A_280] {strides = array<i32>} : memref<800x32xf32, #tpu.memory_space<vmem>>, vector<16xf32>,
        %add3A_282 = arith.addf %add3A_270, %get3A_281 : vector<16xf32>
        %add3A_283 = arith.constant 15 : i32
        %add3A_284 = arith.addi %mul3A_94, %add3A_283 : i32
        %get3A_285 = arith.index_cast %add3A_284 : i32 to index
        %get3A_286 = arith.constant 16 : index
        %get3A_287 = tpu.vector_load %arg7[%get3A_285, %get3A_286] {strides = array<i32>} : memref<800x32xf32, #tpu.memory_space<vmem>>, vector<16xf32>,
        %add3A_288 = arith.addf %add3A_276, %get3A_287 : vector<16xf32>
        %add3A_289 = arith.constant 16 : i32
        %add3A_290 = arith.addi %mul3A_94, %add3A_289 : i32
        %get3A_291 = arith.index_cast %add3A_290 : i32 to index
        %get3A_292 = arith.constant 0 : index
        %get3A_293 = tpu.vector_load %arg7[%get3A_291, %get3A_292] {strides = array<i32>} : memref<800x32xf32, #tpu.memory_space<vmem>>, vector<16xf32>,
        %add3A_294 = arith.addf %add3A_282, %get3A_293 : vector<16xf32>
        %add3A_295 = arith.constant 16 : i32
        %add3A_296 = arith.addi %mul3A_94, %add3A_295 : i32
        %get3A_297 = arith.index_cast %add3A_296 : i32 to index
        %get3A_298 = arith.constant 16 : index
        %get3A_299 = tpu.vector_load %arg7[%get3A_297, %get3A_298] {strides = array<i32>} : memref<800x32xf32, #tpu.memory_space<vmem>>, vector<16xf32>,
        %add3A_300 = arith.addf %add3A_288, %get3A_299 : vector<16xf32>
        %add3A_301 = arith.constant 17 : i32
        %add3A_302 = arith.addi %mul3A_94, %add3A_301 : i32
        %get3A_303 = arith.index_cast %add3A_302 : i32 to index
        %get3A_304 = arith.constant 0 : index
        %get3A_305 = tpu.vector_load %arg7[%get3A_303, %get3A_304] {strides = array<i32>} : memref<800x32xf32, #tpu.memory_space<vmem>>, vector<16xf32>,
        %add3A_306 = arith.addf %add3A_294, %get3A_305 : vector<16xf32>
        %add3A_307 = arith.constant 17 : i32
        %add3A_308 = arith.addi %mul3A_94, %add3A_307 : i32
        %get3A_309 = arith.index_cast %add3A_308 : i32 to index
        %get3A_310 = arith.constant 16 : index
        %get3A_311 = tpu.vector_load %arg7[%get3A_309, %get3A_310] {strides = array<i32>} : memref<800x32xf32, #tpu.memory_space<vmem>>, vector<16xf32>,
        %add3A_312 = arith.addf %add3A_300, %get3A_311 : vector<16xf32>
        %add3A_313 = arith.constant 18 : i32
        %add3A_314 = arith.addi %mul3A_94, %add3A_313 : i32
        %get3A_315 = arith.index_cast %add3A_314 : i32 to index
        %get3A_316 = arith.constant 0 : index
        %get3A_317 = tpu.vector_load %arg7[%get3A_315, %get3A_316] {strides = array<i32>} : memref<800x32xf32, #tpu.memory_space<vmem>>, vector<16xf32>,
        %add3A_318 = arith.addf %add3A_306, %get3A_317 : vector<16xf32>
        %add3A_319 = arith.constant 18 : i32
        %add3A_320 = arith.addi %mul3A_94, %add3A_319 : i32
        %get3A_321 = arith.index_cast %add3A_320 : i32 to index
        %get3A_322 = arith.constant 16 : index
        %get3A_323 = tpu.vector_load %arg7[%get3A_321, %get3A_322] {strides = array<i32>} : memref<800x32xf32, #tpu.memory_space<vmem>>, vector<16xf32>,
        %add3A_324 = arith.addf %add3A_312, %get3A_323 : vector<16xf32>
        %add3A_325 = arith.constant 19 : i32
        %add3A_326 = arith.addi %mul3A_94, %add3A_325 : i32
        %get3A_327 = arith.index_cast %add3A_326 : i32 to index
        %get3A_328 = arith.constant 0 : index
        %get3A_329 = tpu.vector_load %arg7[%get3A_327, %get3A_328] {strides = array<i32>} : memref<800x32xf32, #tpu.memory_space<vmem>>, vector<16xf32>,
        %add3A_330 = arith.addf %add3A_318, %get3A_329 : vector<16xf32>
        %add3A_331 = arith.constant 19 : i32
        %add3A_332 = arith.addi %mul3A_94, %add3A_331 : i32
        %get3A_333 = arith.index_cast %add3A_332 : i32 to index
        %get3A_334 = arith.constant 16 : index
        %get3A_335 = tpu.vector_load %arg7[%get3A_333, %get3A_334] {strides = array<i32>} : memref<800x32xf32, #tpu.memory_space<vmem>>, vector<16xf32>,
        %add3A_336 = arith.addf %add3A_324, %get3A_335 : vector<16xf32>
        %add3A_337 = arith.constant 20 : i32
        %add3A_338 = arith.addi %mul3A_94, %add3A_337 : i32
        %get3A_339 = arith.index_cast %add3A_338 : i32 to index
        %get3A_340 = arith.constant 0 : index
        %get3A_341 = tpu.vector_load %arg7[%get3A_339, %get3A_340] {strides = array<i32>} : memref<800x32xf32, #tpu.memory_space<vmem>>, vector<16xf32>,
        %add3A_342 = arith.addf %add3A_330, %get3A_341 : vector<16xf32>
        %add3A_343 = arith.constant 20 : i32
        %add3A_344 = arith.addi %mul3A_94, %add3A_343 : i32
        %get3A_345 = arith.index_cast %add3A_344 : i32 to index
        %get3A_346 = arith.constant 16 : index
        %get3A_347 = tpu.vector_load %arg7[%get3A_345, %get3A_346] {strides = array<i32>} : memref<800x32xf32, #tpu.memory_space<vmem>>, vector<16xf32>,
        %add3A_348 = arith.addf %add3A_336, %get3A_347 : vector<16xf32>
        %add3A_349 = arith.constant 21 : i32
        %add3A_350 = arith.addi %mul3A_94, %add3A_349 : i32
        %get3A_351 = arith.index_cast %add3A_350 : i32 to index
        %get3A_352 = arith.constant 0 : index
        %get3A_353 = tpu.vector_load %arg7[%get3A_351, %get3A_352] {strides = array<i32>} : memref<800x32xf32, #tpu.memory_space<vmem>>, vector<16xf32>,
        %add3A_354 = arith.addf %add3A_342, %get3A_353 : vector<16xf32>
        %add3A_355 = arith.constant 21 : i32
        %add3A_356 = arith.addi %mul3A_94, %add3A_355 : i32
        %get3A_357 = arith.index_cast %add3A_356 : i32 to index
        %get3A_358 = arith.constant 16 : index
        %get3A_359 = tpu.vector_load %arg7[%get3A_357, %get3A_358] {strides = array<i32>} : memref<800x32xf32, #tpu.memory_space<vmem>>, vector<16xf32>,
        %add3A_360 = arith.addf %add3A_348, %get3A_359 : vector<16xf32>
        %add3A_361 = arith.constant 22 : i32
        %add3A_362 = arith.addi %mul3A_94, %add3A_361 : i32
        %get3A_363 = arith.index_cast %add3A_362 : i32 to index
        %get3A_364 = arith.constant 0 : index
        %get3A_365 = tpu.vector_load %arg7[%get3A_363, %get3A_364] {strides = array<i32>} : memref<800x32xf32, #tpu.memory_space<vmem>>, vector<16xf32>,
        %add3A_366 = arith.addf %add3A_354, %get3A_365 : vector<16xf32>
        %add3A_367 = arith.constant 22 : i32
        %add3A_368 = arith.addi %mul3A_94, %add3A_367 : i32
        %get3A_369 = arith.index_cast %add3A_368 : i32 to index
        %get3A_370 = arith.constant 16 : index
        %get3A_371 = tpu.vector_load %arg7[%get3A_369, %get3A_370] {strides = array<i32>} : memref<800x32xf32, #tpu.memory_space<vmem>>, vector<16xf32>,
        %add3A_372 = arith.addf %add3A_360, %get3A_371 : vector<16xf32>
        %add3A_373 = arith.constant 23 : i32
        %add3A_374 = arith.addi %mul3A_94, %add3A_373 : i32
        %get3A_375 = arith.index_cast %add3A_374 : i32 to index
        %get3A_376 = arith.constant 0 : index
        %get3A_377 = tpu.vector_load %arg7[%get3A_375, %get3A_376] {strides = array<i32>} : memref<800x32xf32, #tpu.memory_space<vmem>>, vector<16xf32>,
        %add3A_378 = arith.addf %add3A_366, %get3A_377 : vector<16xf32>
        %add3A_379 = arith.constant 23 : i32
        %add3A_380 = arith.addi %mul3A_94, %add3A_379 : i32
        %get3A_381 = arith.index_cast %add3A_380 : i32 to index
        %get3A_382 = arith.constant 16 : index
        %get3A_383 = tpu.vector_load %arg7[%get3A_381, %get3A_382] {strides = array<i32>} : memref<800x32xf32, #tpu.memory_space<vmem>>, vector<16xf32>,
        %add3A_384 = arith.addf %add3A_372, %get3A_383 : vector<16xf32>
        %add3A_385 = arith.constant 24 : i32
        %add3A_386 = arith.addi %mul3A_94, %add3A_385 : i32
        %get3A_387 = arith.index_cast %add3A_386 : i32 to index
        %get3A_388 = arith.constant 0 : index
        %get3A_389 = tpu.vector_load %arg7[%get3A_387, %get3A_388] {strides = array<i32>} : memref<800x32xf32, #tpu.memory_space<vmem>>, vector<16xf32>,
        %add3A_390 = arith.addf %add3A_378, %get3A_389 : vector<16xf32>
        %add3A_391 = arith.constant 24 : i32
        %add3A_392 = arith.addi %mul3A_94, %add3A_391 : i32
        %get3A_393 = arith.index_cast %add3A_392 : i32 to index
        %get3A_394 = arith.constant 16 : index
        %get3A_395 = tpu.vector_load %arg7[%get3A_393, %get3A_394] {strides = array<i32>} : memref<800x32xf32, #tpu.memory_space<vmem>>, vector<16xf32>,
        %add3A_396 = arith.addf %add3A_384, %get3A_395 : vector<16xf32>
        %add3A_397 = arith.constant 25 : i32
        %add3A_398 = arith.addi %mul3A_94, %add3A_397 : i32
        %get3A_399 = arith.index_cast %add3A_398 : i32 to index
        %get3A_400 = arith.constant 0 : index
        %get3A_401 = tpu.vector_load %arg7[%get3A_399, %get3A_400] {strides = array<i32>} : memref<800x32xf32, #tpu.memory_space<vmem>>, vector<16xf32>,
        %add3A_402 = arith.addf %add3A_390, %get3A_401 : vector<16xf32>
        %add3A_403 = arith.constant 25 : i32
        %add3A_404 = arith.addi %mul3A_94, %add3A_403 : i32
        %get3A_405 = arith.index_cast %add3A_404 : i32 to index
        %get3A_406 = arith.constant 16 : index
        %get3A_407 = tpu.vector_load %arg7[%get3A_405, %get3A_406] {strides = array<i32>} : memref<800x32xf32, #tpu.memory_space<vmem>>, vector<16xf32>,
        %add3A_408 = arith.addf %add3A_396, %get3A_407 : vector<16xf32>
        %add3A_409 = arith.constant 26 : i32
        %add3A_410 = arith.addi %mul3A_94, %add3A_409 : i32
        %get3A_411 = arith.index_cast %add3A_410 : i32 to index
        %get3A_412 = arith.constant 0 : index
        %get3A_413 = tpu.vector_load %arg7[%get3A_411, %get3A_412] {strides = array<i32>} : memref<800x32xf32, #tpu.memory_space<vmem>>, vector<16xf32>,
        %add3A_414 = arith.addf %add3A_402, %get3A_413 : vector<16xf32>
        %add3A_415 = arith.constant 26 : i32
        %add3A_416 = arith.addi %mul3A_94, %add3A_415 : i32
        %get3A_417 = arith.index_cast %add3A_416 : i32 to index
        %get3A_418 = arith.constant 16 : index
        %get3A_419 = tpu.vector_load %arg7[%get3A_417, %get3A_418] {strides = array<i32>} : memref<800x32xf32, #tpu.memory_space<vmem>>, vector<16xf32>,
        %add3A_420 = arith.addf %add3A_408, %get3A_419 : vector<16xf32>
        %add3A_421 = arith.constant 27 : i32
        %add3A_422 = arith.addi %mul3A_94, %add3A_421 : i32
        %get3A_423 = arith.index_cast %add3A_422 : i32 to index
        %get3A_424 = arith.constant 0 : index
        %get3A_425 = tpu.vector_load %arg7[%get3A_423, %get3A_424] {strides = array<i32>} : memref<800x32xf32, #tpu.memory_space<vmem>>, vector<16xf32>,
        %add3A_426 = arith.addf %add3A_414, %get3A_425 : vector<16xf32>
        %add3A_427 = arith.constant 27 : i32
        %add3A_428 = arith.addi %mul3A_94, %add3A_427 : i32
        %get3A_429 = arith.index_cast %add3A_428 : i32 to index
        %get3A_430 = arith.constant 16 : index
        %get3A_431 = tpu.vector_load %arg7[%get3A_429, %get3A_430] {strides = array<i32>} : memref<800x32xf32, #tpu.memory_space<vmem>>, vector<16xf32>,
        %add3A_432 = arith.addf %add3A_420, %get3A_431 : vector<16xf32>
        %add3A_433 = arith.constant 28 : i32
        %add3A_434 = arith.addi %mul3A_94, %add3A_433 : i32
        %get3A_435 = arith.index_cast %add3A_434 : i32 to index
        %get3A_436 = arith.constant 0 : index
        %get3A_437 = tpu.vector_load %arg7[%get3A_435, %get3A_436] {strides = array<i32>} : memref<800x32xf32, #tpu.memory_space<vmem>>, vector<16xf32>,
        %add3A_438 = arith.addf %add3A_426, %get3A_437 : vector<16xf32>
        %add3A_439 = arith.constant 28 : i32
        %add3A_440 = arith.addi %mul3A_94, %add3A_439 : i32
        %get3A_441 = arith.index_cast %add3A_440 : i32 to index
        %get3A_442 = arith.constant 16 : index
        %get3A_443 = tpu.vector_load %arg7[%get3A_441, %get3A_442] {strides = array<i32>} : memref<800x32xf32, #tpu.memory_space<vmem>>, vector<16xf32>,
        %add3A_444 = arith.addf %add3A_432, %get3A_443 : vector<16xf32>
        %add3A_445 = arith.constant 29 : i32
        %add3A_446 = arith.addi %mul3A_94, %add3A_445 : i32
        %get3A_447 = arith.index_cast %add3A_446 : i32 to index
        %get3A_448 = arith.constant 0 : index
        %get3A_449 = tpu.vector_load %arg7[%get3A_447, %get3A_448] {strides = array<i32>} : memref<800x32xf32, #tpu.memory_space<vmem>>, vector<16xf32>,
        %add3A_450 = arith.addf %add3A_438, %get3A_449 : vector<16xf32>
        %add3A_451 = arith.constant 29 : i32
        %add3A_452 = arith.addi %mul3A_94, %add3A_451 : i32
        %get3A_453 = arith.index_cast %add3A_452 : i32 to index
        %get3A_454 = arith.constant 16 : index
        %get3A_455 = tpu.vector_load %arg7[%get3A_453, %get3A_454] {strides = array<i32>} : memref<800x32xf32, #tpu.memory_space<vmem>>, vector<16xf32>,
        %add3A_456 = arith.addf %add3A_444, %get3A_455 : vector<16xf32>
        %add3A_457 = arith.constant 30 : i32
        %add3A_458 = arith.addi %mul3A_94, %add3A_457 : i32
        %get3A_459 = arith.index_cast %add3A_458 : i32 to index
        %get3A_460 = arith.constant 0 : index
        %get3A_461 = tpu.vector_load %arg7[%get3A_459, %get3A_460] {strides = array<i32>} : memref<800x32xf32, #tpu.memory_space<vmem>>, vector<16xf32>,
        %add3A_462 = arith.addf %add3A_450, %get3A_461 : vector<16xf32>
        %add3A_463 = arith.constant 30 : i32
        %add3A_464 = arith.addi %mul3A_94, %add3A_463 : i32
        %get3A_465 = arith.index_cast %add3A_464 : i32 to index
        %get3A_466 = arith.constant 16 : index
        %get3A_467 = tpu.vector_load %arg7[%get3A_465, %get3A_466] {strides = array<i32>} : memref<800x32xf32, #tpu.memory_space<vmem>>, vector<16xf32>,
        %add3A_468 = arith.addf %add3A_456, %get3A_467 : vector<16xf32>
        %add3A_469 = arith.constant 31 : i32
        %add3A_470 = arith.addi %mul3A_94, %add3A_469 : i32
        %get3A_471 = arith.index_cast %add3A_470 : i32 to index
        %get3A_472 = arith.constant 0 : index
        %get3A_473 = tpu.vector_load %arg7[%get3A_471, %get3A_472] {strides = array<i32>} : memref<800x32xf32, #tpu.memory_space<vmem>>, vector<16xf32>,
        %add3A_474 = arith.addf %add3A_462, %get3A_473 : vector<16xf32>
        %add3A_475 = arith.constant 31 : i32
        %add3A_476 = arith.addi %mul3A_94, %add3A_475 : i32
        %get3A_477 = arith.index_cast %add3A_476 : i32 to index
        %get3A_478 = arith.constant 16 : index
        %get3A_479 = tpu.vector_load %arg7[%get3A_477, %get3A_478] {strides = array<i32>} : memref<800x32xf32, #tpu.memory_space<vmem>>, vector<16xf32>,
        %add3A_480 = arith.addf %add3A_468, %get3A_479 : vector<16xf32>
        %add3A_481 = arith.constant 32 : i32
        %add3A_482 = arith.addi %mul3A_94, %add3A_481 : i32
        %get3A_483 = arith.index_cast %add3A_482 : i32 to index
        %get3A_484 = arith.constant 0 : index
        %get3A_485 = tpu.vector_load %arg7[%get3A_483, %get3A_484] {strides = array<i32>} : memref<800x32xf32, #tpu.memory_space<vmem>>, vector<16xf32>,
        %add3A_486 = arith.addf %add3A_474, %get3A_485 : vector<16xf32>
        %add3A_487 = arith.constant 32 : i32
        %add3A_488 = arith.addi %mul3A_94, %add3A_487 : i32
        %get3A_489 = arith.index_cast %add3A_488 : i32 to index
        %get3A_490 = arith.constant 16 : index
        %get3A_491 = tpu.vector_load %arg7[%get3A_489, %get3A_490] {strides = array<i32>} : memref<800x32xf32, #tpu.memory_space<vmem>>, vector<16xf32>,
        %add3A_492 = arith.addf %add3A_480, %get3A_491 : vector<16xf32>
        %add3A_493 = arith.constant 33 : i32
        %add3A_494 = arith.addi %mul3A_94, %add3A_493 : i32
        %get3A_495 = arith.index_cast %add3A_494 : i32 to index
        %get3A_496 = arith.constant 0 : index
        %get3A_497 = tpu.vector_load %arg7[%get3A_495, %get3A_496] {strides = array<i32>} : memref<800x32xf32, #tpu.memory_space<vmem>>, vector<16xf32>,
        %add3A_498 = arith.addf %add3A_486, %get3A_497 : vector<16xf32>
        %add3A_499 = arith.constant 33 : i32
        %add3A_500 = arith.addi %mul3A_94, %add3A_499 : i32
        %get3A_501 = arith.index_cast %add3A_500 : i32 to index
        %get3A_502 = arith.constant 16 : index
        %get3A_503 = tpu.vector_load %arg7[%get3A_501, %get3A_502] {strides = array<i32>} : memref<800x32xf32, #tpu.memory_space<vmem>>, vector<16xf32>,
        %add3A_504 = arith.addf %add3A_492, %get3A_503 : vector<16xf32>
        %add3A_505 = arith.constant 34 : i32
        %add3A_506 = arith.addi %mul3A_94, %add3A_505 : i32
        %get3A_507 = arith.index_cast %add3A_506 : i32 to index
        %get3A_508 = arith.constant 0 : index
        %get3A_509 = tpu.vector_load %arg7[%get3A_507, %get3A_508] {strides = array<i32>} : memref<800x32xf32, #tpu.memory_space<vmem>>, vector<16xf32>,
        %add3A_510 = arith.addf %add3A_498, %get3A_509 : vector<16xf32>
        %add3A_511 = arith.constant 34 : i32
        %add3A_512 = arith.addi %mul3A_94, %add3A_511 : i32
        %get3A_513 = arith.index_cast %add3A_512 : i32 to index
        %get3A_514 = arith.constant 16 : index
        %get3A_515 = tpu.vector_load %arg7[%get3A_513, %get3A_514] {strides = array<i32>} : memref<800x32xf32, #tpu.memory_space<vmem>>, vector<16xf32>,
        %add3A_516 = arith.addf %add3A_504, %get3A_515 : vector<16xf32>
        %add3A_517 = arith.constant 35 : i32
        %add3A_518 = arith.addi %mul3A_94, %add3A_517 : i32
        %get3A_519 = arith.index_cast %add3A_518 : i32 to index
        %get3A_520 = arith.constant 0 : index
        %get3A_521 = tpu.vector_load %arg7[%get3A_519, %get3A_520] {strides = array<i32>} : memref<800x32xf32, #tpu.memory_space<vmem>>, vector<16xf32>,
        %add3A_522 = arith.addf %add3A_510, %get3A_521 : vector<16xf32>
        %add3A_523 = arith.constant 35 : i32
        %add3A_524 = arith.addi %mul3A_94, %add3A_523 : i32
        %get3A_525 = arith.index_cast %add3A_524 : i32 to index
        %get3A_526 = arith.constant 16 : index
        %get3A_527 = tpu.vector_load %arg7[%get3A_525, %get3A_526] {strides = array<i32>} : memref<800x32xf32, #tpu.memory_space<vmem>>, vector<16xf32>,
        %add3A_528 = arith.addf %add3A_516, %get3A_527 : vector<16xf32>
        %add3A_529 = arith.constant 36 : i32
        %add3A_530 = arith.addi %mul3A_94, %add3A_529 : i32
        %get3A_531 = arith.index_cast %add3A_530 : i32 to index
        %get3A_532 = arith.constant 0 : index
        %get3A_533 = tpu.vector_load %arg7[%get3A_531, %get3A_532] {strides = array<i32>} : memref<800x32xf32, #tpu.memory_space<vmem>>, vector<16xf32>,
        %add3A_534 = arith.addf %add3A_522, %get3A_533 : vector<16xf32>
        %add3A_535 = arith.constant 36 : i32
        %add3A_536 = arith.addi %mul3A_94, %add3A_535 : i32
        %get3A_537 = arith.index_cast %add3A_536 : i32 to index
        %get3A_538 = arith.constant 16 : index
        %get3A_539 = tpu.vector_load %arg7[%get3A_537, %get3A_538] {strides = array<i32>} : memref<800x32xf32, #tpu.memory_space<vmem>>, vector<16xf32>,
        %add3A_540 = arith.addf %add3A_528, %get3A_539 : vector<16xf32>
        %add3A_541 = arith.constant 37 : i32
        %add3A_542 = arith.addi %mul3A_94, %add3A_541 : i32
        %get3A_543 = arith.index_cast %add3A_542 : i32 to index
        %get3A_544 = arith.constant 0 : index
        %get3A_545 = tpu.vector_load %arg7[%get3A_543, %get3A_544] {strides = array<i32>} : memref<800x32xf32, #tpu.memory_space<vmem>>, vector<16xf32>,
        %add3A_546 = arith.addf %add3A_534, %get3A_545 : vector<16xf32>
        %add3A_547 = arith.constant 37 : i32
        %add3A_548 = arith.addi %mul3A_94, %add3A_547 : i32
        %get3A_549 = arith.index_cast %add3A_548 : i32 to index
        %get3A_550 = arith.constant 16 : index
        %get3A_551 = tpu.vector_load %arg7[%get3A_549, %get3A_550] {strides = array<i32>} : memref<800x32xf32, #tpu.memory_space<vmem>>, vector<16xf32>,
        %add3A_552 = arith.addf %add3A_540, %get3A_551 : vector<16xf32>
        %add3A_553 = arith.constant 38 : i32
        %add3A_554 = arith.addi %mul3A_94, %add3A_553 : i32
        %get3A_555 = arith.index_cast %add3A_554 : i32 to index
        %get3A_556 = arith.constant 0 : index
        %get3A_557 = tpu.vector_load %arg7[%get3A_555, %get3A_556] {strides = array<i32>} : memref<800x32xf32, #tpu.memory_space<vmem>>, vector<16xf32>,
        %add3A_558 = arith.addf %add3A_546, %get3A_557 : vector<16xf32>
        %add3A_559 = arith.constant 38 : i32
        %add3A_560 = arith.addi %mul3A_94, %add3A_559 : i32
        %get3A_561 = arith.index_cast %add3A_560 : i32 to index
        %get3A_562 = arith.constant 16 : index
        %get3A_563 = tpu.vector_load %arg7[%get3A_561, %get3A_562] {strides = array<i32>} : memref<800x32xf32, #tpu.memory_space<vmem>>, vector<16xf32>,
        %add3A_564 = arith.addf %add3A_552, %get3A_563 : vector<16xf32>
        %add3A_565 = arith.constant 39 : i32
        %add3A_566 = arith.addi %mul3A_94, %add3A_565 : i32
        %get3A_567 = arith.index_cast %add3A_566 : i32 to index
        %get3A_568 = arith.constant 0 : index
        %get3A_569 = tpu.vector_load %arg7[%get3A_567, %get3A_568] {strides = array<i32>} : memref<800x32xf32, #tpu.memory_space<vmem>>, vector<16xf32>,
        %add3A_570 = arith.addf %add3A_558, %get3A_569 : vector<16xf32>
        %add3A_571 = arith.constant 39 : i32
        %add3A_572 = arith.addi %mul3A_94, %add3A_571 : i32
        %get3A_573 = arith.index_cast %add3A_572 : i32 to index
        %get3A_574 = arith.constant 16 : index
        %get3A_575 = tpu.vector_load %arg7[%get3A_573, %get3A_574] {strides = array<i32>} : memref<800x32xf32, #tpu.memory_space<vmem>>, vector<16xf32>,
        %add3A_576 = arith.addf %add3A_564, %get3A_575 : vector<16xf32>
        %add3A_577 = arith.constant 40 : i32
        %add3A_578 = arith.addi %mul3A_94, %add3A_577 : i32
        %get3A_579 = arith.index_cast %add3A_578 : i32 to index
        %get3A_580 = arith.constant 0 : index
        %get3A_581 = tpu.vector_load %arg7[%get3A_579, %get3A_580] {strides = array<i32>} : memref<800x32xf32, #tpu.memory_space<vmem>>, vector<16xf32>,
        %add3A_582 = arith.addf %add3A_570, %get3A_581 : vector<16xf32>
        %add3A_583 = arith.constant 40 : i32
        %add3A_584 = arith.addi %mul3A_94, %add3A_583 : i32
        %get3A_585 = arith.index_cast %add3A_584 : i32 to index
        %get3A_586 = arith.constant 16 : index
        %get3A_587 = tpu.vector_load %arg7[%get3A_585, %get3A_586] {strides = array<i32>} : memref<800x32xf32, #tpu.memory_space<vmem>>, vector<16xf32>,
        %add3A_588 = arith.addf %add3A_576, %get3A_587 : vector<16xf32>
        %add3A_589 = arith.constant 41 : i32
        %add3A_590 = arith.addi %mul3A_94, %add3A_589 : i32
        %get3A_591 = arith.index_cast %add3A_590 : i32 to index
        %get3A_592 = arith.constant 0 : index
        %get3A_593 = tpu.vector_load %arg7[%get3A_591, %get3A_592] {strides = array<i32>} : memref<800x32xf32, #tpu.memory_space<vmem>>, vector<16xf32>,
        %add3A_594 = arith.addf %add3A_582, %get3A_593 : vector<16xf32>
        %add3A_595 = arith.constant 41 : i32
        %add3A_596 = arith.addi %mul3A_94, %add3A_595 : i32
        %get3A_597 = arith.index_cast %add3A_596 : i32 to index
        %get3A_598 = arith.constant 16 : index
        %get3A_599 = tpu.vector_load %arg7[%get3A_597, %get3A_598] {strides = array<i32>} : memref<800x32xf32, #tpu.memory_space<vmem>>, vector<16xf32>,
        %add3A_600 = arith.addf %add3A_588, %get3A_599 : vector<16xf32>
        %add3A_601 = arith.constant 42 : i32
        %add3A_602 = arith.addi %mul3A_94, %add3A_601 : i32
        %get3A_603 = arith.index_cast %add3A_602 : i32 to index
        %get3A_604 = arith.constant 0 : index
        %get3A_605 = tpu.vector_load %arg7[%get3A_603, %get3A_604] {strides = array<i32>} : memref<800x32xf32, #tpu.memory_space<vmem>>, vector<16xf32>,
        %add3A_606 = arith.addf %add3A_594, %get3A_605 : vector<16xf32>
        %add3A_607 = arith.constant 42 : i32
        %add3A_608 = arith.addi %mul3A_94, %add3A_607 : i32
        %get3A_609 = arith.index_cast %add3A_608 : i32 to index
        %get3A_610 = arith.constant 16 : index
        %get3A_611 = tpu.vector_load %arg7[%get3A_609, %get3A_610] {strides = array<i32>} : memref<800x32xf32, #tpu.memory_space<vmem>>, vector<16xf32>,
        %add3A_612 = arith.addf %add3A_600, %get3A_611 : vector<16xf32>
        %add3A_613 = arith.constant 43 : i32
        %add3A_614 = arith.addi %mul3A_94, %add3A_613 : i32
        %get3A_615 = arith.index_cast %add3A_614 : i32 to index
        %get3A_616 = arith.constant 0 : index
        %get3A_617 = tpu.vector_load %arg7[%get3A_615, %get3A_616] {strides = array<i32>} : memref<800x32xf32, #tpu.memory_space<vmem>>, vector<16xf32>,
        %add3A_618 = arith.addf %add3A_606, %get3A_617 : vector<16xf32>
        %add3A_619 = arith.constant 43 : i32
        %add3A_620 = arith.addi %mul3A_94, %add3A_619 : i32
        %get3A_621 = arith.index_cast %add3A_620 : i32 to index
        %get3A_622 = arith.constant 16 : index
        %get3A_623 = tpu.vector_load %arg7[%get3A_621, %get3A_622] {strides = array<i32>} : memref<800x32xf32, #tpu.memory_space<vmem>>, vector<16xf32>,
        %add3A_624 = arith.addf %add3A_612, %get3A_623 : vector<16xf32>
        %add3A_625 = arith.constant 44 : i32
        %add3A_626 = arith.addi %mul3A_94, %add3A_625 : i32
        %get3A_627 = arith.index_cast %add3A_626 : i32 to index
        %get3A_628 = arith.constant 0 : index
        %get3A_629 = tpu.vector_load %arg7[%get3A_627, %get3A_628] {strides = array<i32>} : memref<800x32xf32, #tpu.memory_space<vmem>>, vector<16xf32>,
        %add3A_630 = arith.addf %add3A_618, %get3A_629 : vector<16xf32>
        %add3A_631 = arith.constant 44 : i32
        %add3A_632 = arith.addi %mul3A_94, %add3A_631 : i32
        %get3A_633 = arith.index_cast %add3A_632 : i32 to index
        %get3A_634 = arith.constant 16 : index
        %get3A_635 = tpu.vector_load %arg7[%get3A_633, %get3A_634] {strides = array<i32>} : memref<800x32xf32, #tpu.memory_space<vmem>>, vector<16xf32>,
        %add3A_636 = arith.addf %add3A_624, %get3A_635 : vector<16xf32>
        %add3A_637 = arith.constant 45 : i32
        %add3A_638 = arith.addi %mul3A_94, %add3A_637 : i32
        %get3A_639 = arith.index_cast %add3A_638 : i32 to index
        %get3A_640 = arith.constant 0 : index
        %get3A_641 = tpu.vector_load %arg7[%get3A_639, %get3A_640] {strides = array<i32>} : memref<800x32xf32, #tpu.memory_space<vmem>>, vector<16xf32>,
        %add3A_642 = arith.addf %add3A_630, %get3A_641 : vector<16xf32>
        %add3A_643 = arith.constant 45 : i32
        %add3A_644 = arith.addi %mul3A_94, %add3A_643 : i32
        %get3A_645 = arith.index_cast %add3A_644 : i32 to index
        %get3A_646 = arith.constant 16 : index
        %get3A_647 = tpu.vector_load %arg7[%get3A_645, %get3A_646] {strides = array<i32>} : memref<800x32xf32, #tpu.memory_space<vmem>>, vector<16xf32>,
        %add3A_648 = arith.addf %add3A_636, %get3A_647 : vector<16xf32>
        %add3A_649 = arith.constant 46 : i32
        %add3A_650 = arith.addi %mul3A_94, %add3A_649 : i32
        %get3A_651 = arith.index_cast %add3A_650 : i32 to index
        %get3A_652 = arith.constant 0 : index
        %get3A_653 = tpu.vector_load %arg7[%get3A_651, %get3A_652] {strides = array<i32>} : memref<800x32xf32, #tpu.memory_space<vmem>>, vector<16xf32>,
        %add3A_654 = arith.addf %add3A_642, %get3A_653 : vector<16xf32>
        %add3A_655 = arith.constant 46 : i32
        %add3A_656 = arith.addi %mul3A_94, %add3A_655 : i32
        %get3A_657 = arith.index_cast %add3A_656 : i32 to index
        %get3A_658 = arith.constant 16 : index
        %get3A_659 = tpu.vector_load %arg7[%get3A_657, %get3A_658] {strides = array<i32>} : memref<800x32xf32, #tpu.memory_space<vmem>>, vector<16xf32>,
        %add3A_660 = arith.addf %add3A_648, %get3A_659 : vector<16xf32>
        %add3A_661 = arith.constant 47 : i32
        %add3A_662 = arith.addi %mul3A_94, %add3A_661 : i32
        %get3A_663 = arith.index_cast %add3A_662 : i32 to index
        %get3A_664 = arith.constant 0 : index
        %get3A_665 = tpu.vector_load %arg7[%get3A_663, %get3A_664] {strides = array<i32>} : memref<800x32xf32, #tpu.memory_space<vmem>>, vector<16xf32>,
        %add3A_666 = arith.addf %add3A_654, %get3A_665 : vector<16xf32>
        %add3A_667 = arith.constant 47 : i32
        %add3A_668 = arith.addi %mul3A_94, %add3A_667 : i32
        %get3A_669 = arith.index_cast %add3A_668 : i32 to index
        %get3A_670 = arith.constant 16 : index
        %get3A_671 = tpu.vector_load %arg7[%get3A_669, %get3A_670] {strides = array<i32>} : memref<800x32xf32, #tpu.memory_space<vmem>>, vector<16xf32>,
        %add3A_672 = arith.addf %add3A_660, %get3A_671 : vector<16xf32>
        %add3A_673 = arith.constant 48 : i32
        %add3A_674 = arith.addi %mul3A_94, %add3A_673 : i32
        %get3A_675 = arith.index_cast %add3A_674 : i32 to index
        %get3A_676 = arith.constant 0 : index
        %get3A_677 = tpu.vector_load %arg7[%get3A_675, %get3A_676] {strides = array<i32>} : memref<800x32xf32, #tpu.memory_space<vmem>>, vector<16xf32>,
        %add3A_678 = arith.addf %add3A_666, %get3A_677 : vector<16xf32>
        %add3A_679 = arith.constant 48 : i32
        %add3A_680 = arith.addi %mul3A_94, %add3A_679 : i32
        %get3A_681 = arith.index_cast %add3A_680 : i32 to index
        %get3A_682 = arith.constant 16 : index
        %get3A_683 = tpu.vector_load %arg7[%get3A_681, %get3A_682] {strides = array<i32>} : memref<800x32xf32, #tpu.memory_space<vmem>>, vector<16xf32>,
        %add3A_684 = arith.addf %add3A_672, %get3A_683 : vector<16xf32>
        %add3A_685 = arith.constant 49 : i32
        %add3A_686 = arith.addi %mul3A_94, %add3A_685 : i32
        %get3A_687 = arith.index_cast %add3A_686 : i32 to index
        %get3A_688 = arith.constant 0 : index
        %get3A_689 = tpu.vector_load %arg7[%get3A_687, %get3A_688] {strides = array<i32>} : memref<800x32xf32, #tpu.memory_space<vmem>>, vector<16xf32>,
        %add3A_690 = arith.addf %add3A_678, %get3A_689 : vector<16xf32>
        %add3A_691 = arith.constant 49 : i32
        %add3A_692 = arith.addi %mul3A_94, %add3A_691 : i32
        %get3A_693 = arith.index_cast %add3A_692 : i32 to index
        %get3A_694 = arith.constant 16 : index
        %get3A_695 = tpu.vector_load %arg7[%get3A_693, %get3A_694] {strides = array<i32>} : memref<800x32xf32, #tpu.memory_space<vmem>>, vector<16xf32>,
        %add3A_696 = arith.addf %add3A_684, %get3A_695 : vector<16xf32>
        %broadcast_in_dim3A_697 = arith.constant 0 : i32
        %broadcast_in_dim3A_698 = vector.broadcast %broadcast_in_dim3A_697 : i32 to vector<16xi32>
        %add3A_699 = arith.constant 0 : i32
        %add3A_700 = arith.addi %mul3A_94, %add3A_699 : i32
        %get3A_701 = arith.index_cast %add3A_700 : i32 to index
        %get3A_702 = tpu.vector_load %arg5[%get3A_701] {strides = array<i32>} : memref<800xi32, #tpu.memory_space<vmem>>, vector<16xi32>,
        %ne3A = arith.constant 0 : i32
        %ne3A_703 = vector.broadcast %ne3A : i32 to vector<16xi32>
        %ne3A_704 = arith.cmpi ne, %get3A_702, %ne3A_703 : vector<16xi32>
        %all_reduce_population_count3A = tpu.all_reduce %ne3A_704 {dim = 0 : i64, kind = #tpu.reduction_kind<sum>} : vector<16xi1> -> vector<16xi32>
        %add3A_705 = arith.addi %broadcast_in_dim3A_698, %all_reduce_population_count3A : vector<16xi32>
        %add3A_706 = arith.constant 16 : i32
        %add3A_707 = arith.addi %mul3A_94, %add3A_706 : i32
        %get3A_708 = arith.index_cast %add3A_707 : i32 to index
        %get3A_709 = tpu.vector_load %arg5[%get3A_708] {strides = array<i32>} : memref<800xi32, #tpu.memory_space<vmem>>, vector<16xi32>,
        %ne3A_710 = arith.constant 0 : i32
        %ne3A_711 = vector.broadcast %ne3A_710 : i32 to vector<16xi32>
        %ne3A_712 = arith.cmpi ne, %get3A_709, %ne3A_711 : vector<16xi32>
        %all_reduce_population_count3A_713 = tpu.all_reduce %ne3A_712 {dim = 0 : i64, kind = #tpu.reduction_kind<sum>} : vector<16xi1> -> vector<16xi32>
        %add3A_714 = arith.addi %add3A_705, %all_reduce_population_count3A_713 : vector<16xi32>
        %add3A_715 = arith.constant 32 : i32
        %add3A_716 = arith.addi %mul3A_94, %add3A_715 : i32
        %get3A_717 = arith.index_cast %add3A_716 : i32 to index
        %get3A_718 = tpu.vector_load %arg5[%get3A_717] {strides = array<i32>} : memref<800xi32, #tpu.memory_space<vmem>>, vector<16xi32>,
        %ne3A_719 = arith.constant 0 : i32
        %ne3A_720 = vector.broadcast %ne3A_719 : i32 to vector<16xi32>
        %ne3A_721 = arith.cmpi ne, %get3A_718, %ne3A_720 : vector<16xi32>
        %all_reduce_population_count3A_722 = tpu.all_reduce %ne3A_721 {dim = 0 : i64, kind = #tpu.reduction_kind<sum>} : vector<16xi1> -> vector<16xi32>
        %add3A_723 = arith.addi %add3A_714, %all_reduce_population_count3A_722 : vector<16xi32>
        %add3A_724 = arith.constant 50 : i32
        %add3A_725 = arith.addi %mul3A_94, %add3A_724 : i32
        %sub3A = arith.constant 16 : i32
        %sub3A_726 = arith.subi %add3A_725, %sub3A : i32
        %get3A_727 = arith.index_cast %sub3A_726 : i32 to index
        %get3A_728 = tpu.vector_load %arg5[%get3A_727] {strides = array<i32>} : memref<800xi32, #tpu.memory_space<vmem>>, vector<16xi32>,
        %iota3A = tpu.iota {dimensions = array<i32: 0>} : vector<16xi32>
        %ne3A_729 = arith.constant 0 : i32
        %ne3A_730 = vector.broadcast %ne3A_729 : i32 to vector<16xi32>
        %ne3A_731 = arith.cmpi ne, %get3A_728, %ne3A_730 : vector<16xi32>
        %ge3A_732 = arith.constant 14 : i32
        %ge3A_733 = vector.broadcast %ge3A_732 : i32 to vector<16xi32>
        %ge3A_734 = arith.cmpi sge, %iota3A, %ge3A_733 : vector<16xi32>
        %and3A = arith.andi %ne3A_731, %ge3A_734 : vector<16xi1>
        %all_reduce_population_count3A_735 = tpu.all_reduce %and3A {dim = 0 : i64, kind = #tpu.reduction_kind<sum>} : vector<16xi1> -> vector<16xi32>
        %add3A_736 = arith.addi %add3A_723, %all_reduce_population_count3A_735 : vector<16xi32>
        %convert_element_type3A_737 = arith.sitofp %add3A_736 : vector<16xi32> to vector<16xf32>
        %max3A = arith.constant 1.000000e+00 : f32
        %max3A_738 = vector.broadcast %max3A : f32 to vector<16xf32>
        %max3A_739 = arith.maximumf %convert_element_type3A_737, %max3A_738 : vector<16xf32>
        %div3A = arith.divf %add3A_690, %max3A_739 : vector<16xf32>
        %swap3A = arith.index_cast %add3A_92 : i32 to index
        %swap3A_740 = arith.constant 0 : index
        %swap3A_741 = tpu.vector_load %arg9[%swap3A, %swap3A_740] {strides = array<i32>} : memref<16x32xf32, #tpu.memory_space<vmem>>, vector<16xf32>,
        tpu.vector_store %arg9[%swap3A, %swap3A_740], %div3A {strides = array<i32>} : memref<16x32xf32, #tpu.memory_space<vmem>>, vector<16xf32>,
        %div3A_742 = arith.divf %add3A_696, %max3A_739 : vector<16xf32>
        %swap3A_743 = arith.index_cast %add3A_92 : i32 to index
        %swap3A_744 = arith.constant 16 : index
        %swap3A_745 = tpu.vector_load %arg9[%swap3A_743, %swap3A_744] {strides = array<i32>} : memref<16x32xf32, #tpu.memory_space<vmem>>, vector<16xf32>,
        tpu.vector_store %arg9[%swap3A_743, %swap3A_744], %div3A_742 {strides = array<i32>} : memref<16x32xf32, #tpu.memory_space<vmem>>, vector<16xf32>,
      }
      %scan3A_48 = arith.constant 16 : i32
      %dma_start3A_49 = arith.constant 0 : i32
      %dma_start3A_50 = tpu.memref_slice %arg4[%add3A_38, %dma_start3A_49] : memref<16384x32xf32, #tpu.memory_space<hbm>> -> memref<16x32xf32, #tpu.memory_space<hbm>>
      %dma_start3A_51 = arith.constant 0 : i32
      %dma_start3A_52 = tpu.memref_slice %arg4[%add3A_38, %dma_start3A_51] : memref<16384x32xf32, #tpu.memory_space<hbm>> -> memref<16x32xf32, #tpu.memory_space<hbm>>
      tpu.enqueue_dma source(%arg9 : memref<16x32xf32, #tpu.memory_space<vmem>>) target(%dma_start3A_52 : memref<16x32xf32, #tpu.memory_space<hbm>>) target_semaphore(%arg13 : memref<!tpu.dma_semaphore, #tpu.memory_space<semaphore_mem>>)
      %add3A_53 = arith.constant 2 : i32
      %add3A_54 = arith.addi %add3A_35, %add3A_53 : i32
      %lt3A = arith.constant 32 : i32
      %lt3A_55 = arith.cmpi slt, %add3A_54, %lt3A : i32
      %convert_element_type3A_56 = arith.extui %lt3A_55 : i1 to i32
      %cond3A_57 = arith.constant 0 : i32
      %cond3A_58 = arith.cmpi ne, %convert_element_type3A_56, %cond3A_57 : i32
      scf.if %cond3A_58 {
        %add3A_88 = arith.constant 2 : i32
        %add3A_89 = arith.addi %add3A_35, %add3A_88 : i32
        %add3A_90 = arith.addi %mul3A_2, %add3A_89 : i32
        "tpu.region"() ({
          %run_scoped3A = tpu.sem_alloc : memref<!tpu.dma_semaphore, #tpu.memory_space<semaphore_mem>>
          %dma_start3A_94 = arith.constant 0 : i32
          %dma_start3A_95 = tpu.memref_slice %arg2[%add3A_90, %dma_start3A_94] : memref<1024x800xi32, #tpu.memory_space<hbm>> -> memref<1x800xi32, #tpu.memory_space<hbm>>
          %dma_start3A_96 = tpu.memref_squeeze %dma_start3A_95 : memref<1x800xi32, #tpu.memory_space<hbm>> -> memref<800xi32, #tpu.memory_space<hbm>>
          %dma_start3A_97 = arith.constant 0 : i32
          %dma_start3A_98 = tpu.memref_slice %arg2[%add3A_90, %dma_start3A_97] : memref<1024x800xi32, #tpu.memory_space<hbm>> -> memref<1x800xi32, #tpu.memory_space<hbm>>
          %dma_start3A_99 = tpu.memref_squeeze %dma_start3A_98 : memref<1x800xi32, #tpu.memory_space<hbm>> -> memref<800xi32, #tpu.memory_space<hbm>>
          tpu.enqueue_dma source(%dma_start3A_99 : memref<800xi32, #tpu.memory_space<hbm>>) target(%arg5 : memref<800xi32, #tpu.memory_space<vmem>>) target_semaphore(%run_scoped3A : memref<!tpu.dma_semaphore, #tpu.memory_space<semaphore_mem>>)
          %dma_wait3A_100 = arith.constant 0 : i32
          %dma_wait3A_101 = tpu.memref_slice %arg2[%add3A_90, %dma_wait3A_100] : memref<1024x800xi32, #tpu.memory_space<hbm>> -> memref<1x800xi32, #tpu.memory_space<hbm>>
          %dma_wait3A_102 = tpu.memref_squeeze %dma_wait3A_101 : memref<1x800xi32, #tpu.memory_space<hbm>> -> memref<800xi32, #tpu.memory_space<hbm>>
          %dma_wait3A_103 = arith.constant 0 : i32
          %dma_wait3A_104 = tpu.memref_slice %arg2[%add3A_90, %dma_wait3A_103] : memref<1024x800xi32, #tpu.memory_space<hbm>> -> memref<1x800xi32, #tpu.memory_space<hbm>>
          %dma_wait3A_105 = tpu.memref_squeeze %dma_wait3A_104 : memref<1x800xi32, #tpu.memory_space<hbm>> -> memref<800xi32, #tpu.memory_space<hbm>>
          tpu.wait_dma2 semaphore(%run_scoped3A : memref<!tpu.dma_semaphore, #tpu.memory_space<semaphore_mem>>) src(%dma_wait3A_105 : memref<800xi32, #tpu.memory_space<hbm>>) dst(%arg5 : memref<800xi32, #tpu.memory_space<vmem>>)
          tpu.yield
        }) : () -> ()
        %dma_start3A_91 = arith.constant 0 : i32
        %dma_start3A_92 = arith.constant 0 : i32
        %dma_start3A_93 = tpu.memref_slice %arg3[%dma_start3A_91, %dma_start3A_92] : memref<4000000x32xf32, #tpu.memory_space<hbm>> -> memref<4000000x32xf32, #tpu.memory_space<hbm>>
        tpu.enqueue_indirect_dma source(%dma_start3A_93 : memref<4000000x32xf32, #tpu.memory_space<hbm>>) target(%arg7 : memref<800x32xf32, #tpu.memory_space<vmem>>) offsets(%arg5 : memref<800xi32, #tpu.memory_space<vmem>>) semaphore(%arg11 : memref<!tpu.dma_semaphore, #tpu.memory_space<semaphore_mem>>)
      } else {
      }
      %add3A_59 = arith.constant 1 : i32
      %add3A_60 = arith.addi %add3A_33, %add3A_59 : i32
      %mul3A_61 = arith.constant 16 : i32
      %mul3A_62 = arith.muli %add3A_60, %mul3A_61 : i32
      %add3A_63 = arith.addi %mul3A_4, %mul3A_62 : i32
      %dma_wait3A_64 = arith.constant 0 : i32
      %dma_wait3A_65 = arith.constant 0 : i32
      %dma_wait3A_66 = tpu.memref_slice %arg3[%dma_wait3A_64, %dma_wait3A_65] : memref<4000000x32xf32, #tpu.memory_space<hbm>> -> memref<4000000x32xf32, #tpu.memory_space<hbm>>
      tpu.wait_indirect_dma semaphore(%arg12 : memref<!tpu.dma_semaphore, #tpu.memory_space<semaphore_mem>>) src(%dma_wait3A_66 : memref<4000000x32xf32, #tpu.memory_space<hbm>>) dst(%arg8 : memref<800x32xf32, #tpu.memory_space<vmem>>)
      %ge3A_67 = arith.constant 2 : i32
      %ge3A_68 = arith.cmpi sge, %add3A_60, %ge3A_67 : i32
      %convert_element_type3A_69 = arith.extui %ge3A_68 : i1 to i32
      %cond3A_70 = arith.constant 0 : i32
      %cond3A_71 = arith.cmpi ne, %convert_element_type3A_69, %cond3A_70 : i32
      scf.if %cond3A_71 {
        %dma_wait3A_88 = arith.constant 0 : i32
        %dma_wait3A_89 = tpu.memref_slice %arg4[%add3A_63, %dma_wait3A_88] : memref<16384x32xf32, #tpu.memory_space<hbm>> -> memref<16x32xf32, #tpu.memory_space<hbm>>
        %dma_wait3A_90 = arith.constant 0 : i32
        %dma_wait3A_91 = tpu.memref_slice %arg4[%add3A_63, %dma_wait3A_90] : memref<16384x32xf32, #tpu.memory_space<hbm>> -> memref<16x32xf32, #tpu.memory_space<hbm>>
        tpu.wait_dma2 semaphore(%arg14 : memref<!tpu.dma_semaphore, #tpu.memory_space<semaphore_mem>>) src(%arg10 : memref<16x32xf32, #tpu.memory_space<vmem>>) dst(%dma_wait3A_91 : memref<16x32xf32, #tpu.memory_space<hbm>>)
      } else {
      }
      %scan3A_72 = arith.constant 0 : i32
      %scan3A_73 = arith.constant 16 : i32
      %scan3A_74 = arith.addi %scan3A_72, %scan3A_73 : i32
      %scan3A_75 = arith.constant 1 : i32
      scf.for %scan3A_88 = %scan3A_72 to %scan3A_74 step %scan3A_75  : i32 {
        %mul3A_89 = arith.constant 1 : i32
        %mul3A_90 = arith.muli %scan3A_88, %mul3A_89 : i32
        %add3A_91 = arith.constant 0 : i32
        %add3A_92 = arith.addi %add3A_91, %mul3A_90 : i32
        %mul3A_93 = arith.constant 50 : i32
        %mul3A_94 = arith.muli %add3A_92, %mul3A_93 : i32
        %broadcast_in_dim3A = arith.constant 0.000000e+00 : f32
        %broadcast_in_dim3A_95 = vector.broadcast %broadcast_in_dim3A : f32 to vector<16xf32>
        %broadcast_in_dim3A_96 = arith.constant 0.000000e+00 : f32
        %broadcast_in_dim3A_97 = vector.broadcast %broadcast_in_dim3A_96 : f32 to vector<16xf32>
        %add3A_98 = arith.constant 0 : i32
        %add3A_99 = arith.addi %mul3A_94, %add3A_98 : i32
        %get3A = arith.index_cast %add3A_99 : i32 to index
        %get3A_100 = arith.constant 0 : index
        %get3A_101 = tpu.vector_load %arg8[%get3A, %get3A_100] {strides = array<i32>} : memref<800x32xf32, #tpu.memory_space<vmem>>, vector<16xf32>,
        %add3A_102 = arith.addf %broadcast_in_dim3A_95, %get3A_101 : vector<16xf32>
        %add3A_103 = arith.constant 0 : i32
        %add3A_104 = arith.addi %mul3A_94, %add3A_103 : i32
        %get3A_105 = arith.index_cast %add3A_104 : i32 to index
        %get3A_106 = arith.constant 16 : index
        %get3A_107 = tpu.vector_load %arg8[%get3A_105, %get3A_106] {strides = array<i32>} : memref<800x32xf32, #tpu.memory_space<vmem>>, vector<16xf32>,
        %add3A_108 = arith.addf %broadcast_in_dim3A_97, %get3A_107 : vector<16xf32>
        %add3A_109 = arith.constant 1 : i32
        %add3A_110 = arith.addi %mul3A_94, %add3A_109 : i32
        %get3A_111 = arith.index_cast %add3A_110 : i32 to index
        %get3A_112 = arith.constant 0 : index
        %get3A_113 = tpu.vector_load %arg8[%get3A_111, %get3A_112] {strides = array<i32>} : memref<800x32xf32, #tpu.memory_space<vmem>>, vector<16xf32>,
        %add3A_114 = arith.addf %add3A_102, %get3A_113 : vector<16xf32>
        %add3A_115 = arith.constant 1 : i32
        %add3A_116 = arith.addi %mul3A_94, %add3A_115 : i32
        %get3A_117 = arith.index_cast %add3A_116 : i32 to index
        %get3A_118 = arith.constant 16 : index
        %get3A_119 = tpu.vector_load %arg8[%get3A_117, %get3A_118] {strides = array<i32>} : memref<800x32xf32, #tpu.memory_space<vmem>>, vector<16xf32>,
        %add3A_120 = arith.addf %add3A_108, %get3A_119 : vector<16xf32>
        %add3A_121 = arith.constant 2 : i32
        %add3A_122 = arith.addi %mul3A_94, %add3A_121 : i32
        %get3A_123 = arith.index_cast %add3A_122 : i32 to index
        %get3A_124 = arith.constant 0 : index
        %get3A_125 = tpu.vector_load %arg8[%get3A_123, %get3A_124] {strides = array<i32>} : memref<800x32xf32, #tpu.memory_space<vmem>>, vector<16xf32>,
        %add3A_126 = arith.addf %add3A_114, %get3A_125 : vector<16xf32>
        %add3A_127 = arith.constant 2 : i32
        %add3A_128 = arith.addi %mul3A_94, %add3A_127 : i32
        %get3A_129 = arith.index_cast %add3A_128 : i32 to index
        %get3A_130 = arith.constant 16 : index
        %get3A_131 = tpu.vector_load %arg8[%get3A_129, %get3A_130] {strides = array<i32>} : memref<800x32xf32, #tpu.memory_space<vmem>>, vector<16xf32>,
        %add3A_132 = arith.addf %add3A_120, %get3A_131 : vector<16xf32>
        %add3A_133 = arith.constant 3 : i32
        %add3A_134 = arith.addi %mul3A_94, %add3A_133 : i32
        %get3A_135 = arith.index_cast %add3A_134 : i32 to index
        %get3A_136 = arith.constant 0 : index
        %get3A_137 = tpu.vector_load %arg8[%get3A_135, %get3A_136] {strides = array<i32>} : memref<800x32xf32, #tpu.memory_space<vmem>>, vector<16xf32>,
        %add3A_138 = arith.addf %add3A_126, %get3A_137 : vector<16xf32>
        %add3A_139 = arith.constant 3 : i32
        %add3A_140 = arith.addi %mul3A_94, %add3A_139 : i32
        %get3A_141 = arith.index_cast %add3A_140 : i32 to index
        %get3A_142 = arith.constant 16 : index
        %get3A_143 = tpu.vector_load %arg8[%get3A_141, %get3A_142] {strides = array<i32>} : memref<800x32xf32, #tpu.memory_space<vmem>>, vector<16xf32>,
        %add3A_144 = arith.addf %add3A_132, %get3A_143 : vector<16xf32>
        %add3A_145 = arith.constant 4 : i32
        %add3A_146 = arith.addi %mul3A_94, %add3A_145 : i32
        %get3A_147 = arith.index_cast %add3A_146 : i32 to index
        %get3A_148 = arith.constant 0 : index
        %get3A_149 = tpu.vector_load %arg8[%get3A_147, %get3A_148] {strides = array<i32>} : memref<800x32xf32, #tpu.memory_space<vmem>>, vector<16xf32>,
        %add3A_150 = arith.addf %add3A_138, %get3A_149 : vector<16xf32>
        %add3A_151 = arith.constant 4 : i32
        %add3A_152 = arith.addi %mul3A_94, %add3A_151 : i32
        %get3A_153 = arith.index_cast %add3A_152 : i32 to index
        %get3A_154 = arith.constant 16 : index
        %get3A_155 = tpu.vector_load %arg8[%get3A_153, %get3A_154] {strides = array<i32>} : memref<800x32xf32, #tpu.memory_space<vmem>>, vector<16xf32>,
        %add3A_156 = arith.addf %add3A_144, %get3A_155 : vector<16xf32>
        %add3A_157 = arith.constant 5 : i32
        %add3A_158 = arith.addi %mul3A_94, %add3A_157 : i32
        %get3A_159 = arith.index_cast %add3A_158 : i32 to index
        %get3A_160 = arith.constant 0 : index
        %get3A_161 = tpu.vector_load %arg8[%get3A_159, %get3A_160] {strides = array<i32>} : memref<800x32xf32, #tpu.memory_space<vmem>>, vector<16xf32>,
        %add3A_162 = arith.addf %add3A_150, %get3A_161 : vector<16xf32>
        %add3A_163 = arith.constant 5 : i32
        %add3A_164 = arith.addi %mul3A_94, %add3A_163 : i32
        %get3A_165 = arith.index_cast %add3A_164 : i32 to index
        %get3A_166 = arith.constant 16 : index
        %get3A_167 = tpu.vector_load %arg8[%get3A_165, %get3A_166] {strides = array<i32>} : memref<800x32xf32, #tpu.memory_space<vmem>>, vector<16xf32>,
        %add3A_168 = arith.addf %add3A_156, %get3A_167 : vector<16xf32>
        %add3A_169 = arith.constant 6 : i32
        %add3A_170 = arith.addi %mul3A_94, %add3A_169 : i32
        %get3A_171 = arith.index_cast %add3A_170 : i32 to index
        %get3A_172 = arith.constant 0 : index
        %get3A_173 = tpu.vector_load %arg8[%get3A_171, %get3A_172] {strides = array<i32>} : memref<800x32xf32, #tpu.memory_space<vmem>>, vector<16xf32>,
        %add3A_174 = arith.addf %add3A_162, %get3A_173 : vector<16xf32>
        %add3A_175 = arith.constant 6 : i32
        %add3A_176 = arith.addi %mul3A_94, %add3A_175 : i32
        %get3A_177 = arith.index_cast %add3A_176 : i32 to index
        %get3A_178 = arith.constant 16 : index
        %get3A_179 = tpu.vector_load %arg8[%get3A_177, %get3A_178] {strides = array<i32>} : memref<800x32xf32, #tpu.memory_space<vmem>>, vector<16xf32>,
        %add3A_180 = arith.addf %add3A_168, %get3A_179 : vector<16xf32>
        %add3A_181 = arith.constant 7 : i32
        %add3A_182 = arith.addi %mul3A_94, %add3A_181 : i32
        %get3A_183 = arith.index_cast %add3A_182 : i32 to index
        %get3A_184 = arith.constant 0 : index
        %get3A_185 = tpu.vector_load %arg8[%get3A_183, %get3A_184] {strides = array<i32>} : memref<800x32xf32, #tpu.memory_space<vmem>>, vector<16xf32>,
        %add3A_186 = arith.addf %add3A_174, %get3A_185 : vector<16xf32>
        %add3A_187 = arith.constant 7 : i32
        %add3A_188 = arith.addi %mul3A_94, %add3A_187 : i32
        %get3A_189 = arith.index_cast %add3A_188 : i32 to index
        %get3A_190 = arith.constant 16 : index
        %get3A_191 = tpu.vector_load %arg8[%get3A_189, %get3A_190] {strides = array<i32>} : memref<800x32xf32, #tpu.memory_space<vmem>>, vector<16xf32>,
        %add3A_192 = arith.addf %add3A_180, %get3A_191 : vector<16xf32>
        %add3A_193 = arith.constant 8 : i32
        %add3A_194 = arith.addi %mul3A_94, %add3A_193 : i32
        %get3A_195 = arith.index_cast %add3A_194 : i32 to index
        %get3A_196 = arith.constant 0 : index
        %get3A_197 = tpu.vector_load %arg8[%get3A_195, %get3A_196] {strides = array<i32>} : memref<800x32xf32, #tpu.memory_space<vmem>>, vector<16xf32>,
        %add3A_198 = arith.addf %add3A_186, %get3A_197 : vector<16xf32>
        %add3A_199 = arith.constant 8 : i32
        %add3A_200 = arith.addi %mul3A_94, %add3A_199 : i32
        %get3A_201 = arith.index_cast %add3A_200 : i32 to index
        %get3A_202 = arith.constant 16 : index
        %get3A_203 = tpu.vector_load %arg8[%get3A_201, %get3A_202] {strides = array<i32>} : memref<800x32xf32, #tpu.memory_space<vmem>>, vector<16xf32>,
        %add3A_204 = arith.addf %add3A_192, %get3A_203 : vector<16xf32>
        %add3A_205 = arith.constant 9 : i32
        %add3A_206 = arith.addi %mul3A_94, %add3A_205 : i32
        %get3A_207 = arith.index_cast %add3A_206 : i32 to index
        %get3A_208 = arith.constant 0 : index
        %get3A_209 = tpu.vector_load %arg8[%get3A_207, %get3A_208] {strides = array<i32>} : memref<800x32xf32, #tpu.memory_space<vmem>>, vector<16xf32>,
        %add3A_210 = arith.addf %add3A_198, %get3A_209 : vector<16xf32>
        %add3A_211 = arith.constant 9 : i32
        %add3A_212 = arith.addi %mul3A_94, %add3A_211 : i32
        %get3A_213 = arith.index_cast %add3A_212 : i32 to index
        %get3A_214 = arith.constant 16 : index
        %get3A_215 = tpu.vector_load %arg8[%get3A_213, %get3A_214] {strides = array<i32>} : memref<800x32xf32, #tpu.memory_space<vmem>>, vector<16xf32>,
        %add3A_216 = arith.addf %add3A_204, %get3A_215 : vector<16xf32>
        %add3A_217 = arith.constant 10 : i32
        %add3A_218 = arith.addi %mul3A_94, %add3A_217 : i32
        %get3A_219 = arith.index_cast %add3A_218 : i32 to index
        %get3A_220 = arith.constant 0 : index
        %get3A_221 = tpu.vector_load %arg8[%get3A_219, %get3A_220] {strides = array<i32>} : memref<800x32xf32, #tpu.memory_space<vmem>>, vector<16xf32>,
        %add3A_222 = arith.addf %add3A_210, %get3A_221 : vector<16xf32>
        %add3A_223 = arith.constant 10 : i32
        %add3A_224 = arith.addi %mul3A_94, %add3A_223 : i32
        %get3A_225 = arith.index_cast %add3A_224 : i32 to index
        %get3A_226 = arith.constant 16 : index
        %get3A_227 = tpu.vector_load %arg8[%get3A_225, %get3A_226] {strides = array<i32>} : memref<800x32xf32, #tpu.memory_space<vmem>>, vector<16xf32>,
        %add3A_228 = arith.addf %add3A_216, %get3A_227 : vector<16xf32>
        %add3A_229 = arith.constant 11 : i32
        %add3A_230 = arith.addi %mul3A_94, %add3A_229 : i32
        %get3A_231 = arith.index_cast %add3A_230 : i32 to index
        %get3A_232 = arith.constant 0 : index
        %get3A_233 = tpu.vector_load %arg8[%get3A_231, %get3A_232] {strides = array<i32>} : memref<800x32xf32, #tpu.memory_space<vmem>>, vector<16xf32>,
        %add3A_234 = arith.addf %add3A_222, %get3A_233 : vector<16xf32>
        %add3A_235 = arith.constant 11 : i32
        %add3A_236 = arith.addi %mul3A_94, %add3A_235 : i32
        %get3A_237 = arith.index_cast %add3A_236 : i32 to index
        %get3A_238 = arith.constant 16 : index
        %get3A_239 = tpu.vector_load %arg8[%get3A_237, %get3A_238] {strides = array<i32>} : memref<800x32xf32, #tpu.memory_space<vmem>>, vector<16xf32>,
        %add3A_240 = arith.addf %add3A_228, %get3A_239 : vector<16xf32>
        %add3A_241 = arith.constant 12 : i32
        %add3A_242 = arith.addi %mul3A_94, %add3A_241 : i32
        %get3A_243 = arith.index_cast %add3A_242 : i32 to index
        %get3A_244 = arith.constant 0 : index
        %get3A_245 = tpu.vector_load %arg8[%get3A_243, %get3A_244] {strides = array<i32>} : memref<800x32xf32, #tpu.memory_space<vmem>>, vector<16xf32>,
        %add3A_246 = arith.addf %add3A_234, %get3A_245 : vector<16xf32>
        %add3A_247 = arith.constant 12 : i32
        %add3A_248 = arith.addi %mul3A_94, %add3A_247 : i32
        %get3A_249 = arith.index_cast %add3A_248 : i32 to index
        %get3A_250 = arith.constant 16 : index
        %get3A_251 = tpu.vector_load %arg8[%get3A_249, %get3A_250] {strides = array<i32>} : memref<800x32xf32, #tpu.memory_space<vmem>>, vector<16xf32>,
        %add3A_252 = arith.addf %add3A_240, %get3A_251 : vector<16xf32>
        %add3A_253 = arith.constant 13 : i32
        %add3A_254 = arith.addi %mul3A_94, %add3A_253 : i32
        %get3A_255 = arith.index_cast %add3A_254 : i32 to index
        %get3A_256 = arith.constant 0 : index
        %get3A_257 = tpu.vector_load %arg8[%get3A_255, %get3A_256] {strides = array<i32>} : memref<800x32xf32, #tpu.memory_space<vmem>>, vector<16xf32>,
        %add3A_258 = arith.addf %add3A_246, %get3A_257 : vector<16xf32>
        %add3A_259 = arith.constant 13 : i32
        %add3A_260 = arith.addi %mul3A_94, %add3A_259 : i32
        %get3A_261 = arith.index_cast %add3A_260 : i32 to index
        %get3A_262 = arith.constant 16 : index
        %get3A_263 = tpu.vector_load %arg8[%get3A_261, %get3A_262] {strides = array<i32>} : memref<800x32xf32, #tpu.memory_space<vmem>>, vector<16xf32>,
        %add3A_264 = arith.addf %add3A_252, %get3A_263 : vector<16xf32>
        %add3A_265 = arith.constant 14 : i32
        %add3A_266 = arith.addi %mul3A_94, %add3A_265 : i32
        %get3A_267 = arith.index_cast %add3A_266 : i32 to index
        %get3A_268 = arith.constant 0 : index
        %get3A_269 = tpu.vector_load %arg8[%get3A_267, %get3A_268] {strides = array<i32>} : memref<800x32xf32, #tpu.memory_space<vmem>>, vector<16xf32>,
        %add3A_270 = arith.addf %add3A_258, %get3A_269 : vector<16xf32>
        %add3A_271 = arith.constant 14 : i32
        %add3A_272 = arith.addi %mul3A_94, %add3A_271 : i32
        %get3A_273 = arith.index_cast %add3A_272 : i32 to index
        %get3A_274 = arith.constant 16 : index
        %get3A_275 = tpu.vector_load %arg8[%get3A_273, %get3A_274] {strides = array<i32>} : memref<800x32xf32, #tpu.memory_space<vmem>>, vector<16xf32>,
        %add3A_276 = arith.addf %add3A_264, %get3A_275 : vector<16xf32>
        %add3A_277 = arith.constant 15 : i32
        %add3A_278 = arith.addi %mul3A_94, %add3A_277 : i32
        %get3A_279 = arith.index_cast %add3A_278 : i32 to index
        %get3A_280 = arith.constant 0 : index
        %get3A_281 = tpu.vector_load %arg8[%get3A_279, %get3A_280] {strides = array<i32>} : memref<800x32xf32, #tpu.memory_space<vmem>>, vector<16xf32>,
        %add3A_282 = arith.addf %add3A_270, %get3A_281 : vector<16xf32>
        %add3A_283 = arith.constant 15 : i32
        %add3A_284 = arith.addi %mul3A_94, %add3A_283 : i32
        %get3A_285 = arith.index_cast %add3A_284 : i32 to index
        %get3A_286 = arith.constant 16 : index
        %get3A_287 = tpu.vector_load %arg8[%get3A_285, %get3A_286] {strides = array<i32>} : memref<800x32xf32, #tpu.memory_space<vmem>>, vector<16xf32>,
        %add3A_288 = arith.addf %add3A_276, %get3A_287 : vector<16xf32>
        %add3A_289 = arith.constant 16 : i32
        %add3A_290 = arith.addi %mul3A_94, %add3A_289 : i32
        %get3A_291 = arith.index_cast %add3A_290 : i32 to index
        %get3A_292 = arith.constant 0 : index
        %get3A_293 = tpu.vector_load %arg8[%get3A_291, %get3A_292] {strides = array<i32>} : memref<800x32xf32, #tpu.memory_space<vmem>>, vector<16xf32>,
        %add3A_294 = arith.addf %add3A_282, %get3A_293 : vector<16xf32>
        %add3A_295 = arith.constant 16 : i32
        %add3A_296 = arith.addi %mul3A_94, %add3A_295 : i32
        %get3A_297 = arith.index_cast %add3A_296 : i32 to index
        %get3A_298 = arith.constant 16 : index
        %get3A_299 = tpu.vector_load %arg8[%get3A_297, %get3A_298] {strides = array<i32>} : memref<800x32xf32, #tpu.memory_space<vmem>>, vector<16xf32>,
        %add3A_300 = arith.addf %add3A_288, %get3A_299 : vector<16xf32>
        %add3A_301 = arith.constant 17 : i32
        %add3A_302 = arith.addi %mul3A_94, %add3A_301 : i32
        %get3A_303 = arith.index_cast %add3A_302 : i32 to index
        %get3A_304 = arith.constant 0 : index
        %get3A_305 = tpu.vector_load %arg8[%get3A_303, %get3A_304] {strides = array<i32>} : memref<800x32xf32, #tpu.memory_space<vmem>>, vector<16xf32>,
        %add3A_306 = arith.addf %add3A_294, %get3A_305 : vector<16xf32>
        %add3A_307 = arith.constant 17 : i32
        %add3A_308 = arith.addi %mul3A_94, %add3A_307 : i32
        %get3A_309 = arith.index_cast %add3A_308 : i32 to index
        %get3A_310 = arith.constant 16 : index
        %get3A_311 = tpu.vector_load %arg8[%get3A_309, %get3A_310] {strides = array<i32>} : memref<800x32xf32, #tpu.memory_space<vmem>>, vector<16xf32>,
        %add3A_312 = arith.addf %add3A_300, %get3A_311 : vector<16xf32>
        %add3A_313 = arith.constant 18 : i32
        %add3A_314 = arith.addi %mul3A_94, %add3A_313 : i32
        %get3A_315 = arith.index_cast %add3A_314 : i32 to index
        %get3A_316 = arith.constant 0 : index
        %get3A_317 = tpu.vector_load %arg8[%get3A_315, %get3A_316] {strides = array<i32>} : memref<800x32xf32, #tpu.memory_space<vmem>>, vector<16xf32>,
        %add3A_318 = arith.addf %add3A_306, %get3A_317 : vector<16xf32>
        %add3A_319 = arith.constant 18 : i32
        %add3A_320 = arith.addi %mul3A_94, %add3A_319 : i32
        %get3A_321 = arith.index_cast %add3A_320 : i32 to index
        %get3A_322 = arith.constant 16 : index
        %get3A_323 = tpu.vector_load %arg8[%get3A_321, %get3A_322] {strides = array<i32>} : memref<800x32xf32, #tpu.memory_space<vmem>>, vector<16xf32>,
        %add3A_324 = arith.addf %add3A_312, %get3A_323 : vector<16xf32>
        %add3A_325 = arith.constant 19 : i32
        %add3A_326 = arith.addi %mul3A_94, %add3A_325 : i32
        %get3A_327 = arith.index_cast %add3A_326 : i32 to index
        %get3A_328 = arith.constant 0 : index
        %get3A_329 = tpu.vector_load %arg8[%get3A_327, %get3A_328] {strides = array<i32>} : memref<800x32xf32, #tpu.memory_space<vmem>>, vector<16xf32>,
        %add3A_330 = arith.addf %add3A_318, %get3A_329 : vector<16xf32>
        %add3A_331 = arith.constant 19 : i32
        %add3A_332 = arith.addi %mul3A_94, %add3A_331 : i32
        %get3A_333 = arith.index_cast %add3A_332 : i32 to index
        %get3A_334 = arith.constant 16 : index
        %get3A_335 = tpu.vector_load %arg8[%get3A_333, %get3A_334] {strides = array<i32>} : memref<800x32xf32, #tpu.memory_space<vmem>>, vector<16xf32>,
        %add3A_336 = arith.addf %add3A_324, %get3A_335 : vector<16xf32>
        %add3A_337 = arith.constant 20 : i32
        %add3A_338 = arith.addi %mul3A_94, %add3A_337 : i32
        %get3A_339 = arith.index_cast %add3A_338 : i32 to index
        %get3A_340 = arith.constant 0 : index
        %get3A_341 = tpu.vector_load %arg8[%get3A_339, %get3A_340] {strides = array<i32>} : memref<800x32xf32, #tpu.memory_space<vmem>>, vector<16xf32>,
        %add3A_342 = arith.addf %add3A_330, %get3A_341 : vector<16xf32>
        %add3A_343 = arith.constant 20 : i32
        %add3A_344 = arith.addi %mul3A_94, %add3A_343 : i32
        %get3A_345 = arith.index_cast %add3A_344 : i32 to index
        %get3A_346 = arith.constant 16 : index
        %get3A_347 = tpu.vector_load %arg8[%get3A_345, %get3A_346] {strides = array<i32>} : memref<800x32xf32, #tpu.memory_space<vmem>>, vector<16xf32>,
        %add3A_348 = arith.addf %add3A_336, %get3A_347 : vector<16xf32>
        %add3A_349 = arith.constant 21 : i32
        %add3A_350 = arith.addi %mul3A_94, %add3A_349 : i32
        %get3A_351 = arith.index_cast %add3A_350 : i32 to index
        %get3A_352 = arith.constant 0 : index
        %get3A_353 = tpu.vector_load %arg8[%get3A_351, %get3A_352] {strides = array<i32>} : memref<800x32xf32, #tpu.memory_space<vmem>>, vector<16xf32>,
        %add3A_354 = arith.addf %add3A_342, %get3A_353 : vector<16xf32>
        %add3A_355 = arith.constant 21 : i32
        %add3A_356 = arith.addi %mul3A_94, %add3A_355 : i32
        %get3A_357 = arith.index_cast %add3A_356 : i32 to index
        %get3A_358 = arith.constant 16 : index
        %get3A_359 = tpu.vector_load %arg8[%get3A_357, %get3A_358] {strides = array<i32>} : memref<800x32xf32, #tpu.memory_space<vmem>>, vector<16xf32>,
        %add3A_360 = arith.addf %add3A_348, %get3A_359 : vector<16xf32>
        %add3A_361 = arith.constant 22 : i32
        %add3A_362 = arith.addi %mul3A_94, %add3A_361 : i32
        %get3A_363 = arith.index_cast %add3A_362 : i32 to index
        %get3A_364 = arith.constant 0 : index
        %get3A_365 = tpu.vector_load %arg8[%get3A_363, %get3A_364] {strides = array<i32>} : memref<800x32xf32, #tpu.memory_space<vmem>>, vector<16xf32>,
        %add3A_366 = arith.addf %add3A_354, %get3A_365 : vector<16xf32>
        %add3A_367 = arith.constant 22 : i32
        %add3A_368 = arith.addi %mul3A_94, %add3A_367 : i32
        %get3A_369 = arith.index_cast %add3A_368 : i32 to index
        %get3A_370 = arith.constant 16 : index
        %get3A_371 = tpu.vector_load %arg8[%get3A_369, %get3A_370] {strides = array<i32>} : memref<800x32xf32, #tpu.memory_space<vmem>>, vector<16xf32>,
        %add3A_372 = arith.addf %add3A_360, %get3A_371 : vector<16xf32>
        %add3A_373 = arith.constant 23 : i32
        %add3A_374 = arith.addi %mul3A_94, %add3A_373 : i32
        %get3A_375 = arith.index_cast %add3A_374 : i32 to index
        %get3A_376 = arith.constant 0 : index
        %get3A_377 = tpu.vector_load %arg8[%get3A_375, %get3A_376] {strides = array<i32>} : memref<800x32xf32, #tpu.memory_space<vmem>>, vector<16xf32>,
        %add3A_378 = arith.addf %add3A_366, %get3A_377 : vector<16xf32>
        %add3A_379 = arith.constant 23 : i32
        %add3A_380 = arith.addi %mul3A_94, %add3A_379 : i32
        %get3A_381 = arith.index_cast %add3A_380 : i32 to index
        %get3A_382 = arith.constant 16 : index
        %get3A_383 = tpu.vector_load %arg8[%get3A_381, %get3A_382] {strides = array<i32>} : memref<800x32xf32, #tpu.memory_space<vmem>>, vector<16xf32>,
        %add3A_384 = arith.addf %add3A_372, %get3A_383 : vector<16xf32>
        %add3A_385 = arith.constant 24 : i32
        %add3A_386 = arith.addi %mul3A_94, %add3A_385 : i32
        %get3A_387 = arith.index_cast %add3A_386 : i32 to index
        %get3A_388 = arith.constant 0 : index
        %get3A_389 = tpu.vector_load %arg8[%get3A_387, %get3A_388] {strides = array<i32>} : memref<800x32xf32, #tpu.memory_space<vmem>>, vector<16xf32>,
        %add3A_390 = arith.addf %add3A_378, %get3A_389 : vector<16xf32>
        %add3A_391 = arith.constant 24 : i32
        %add3A_392 = arith.addi %mul3A_94, %add3A_391 : i32
        %get3A_393 = arith.index_cast %add3A_392 : i32 to index
        %get3A_394 = arith.constant 16 : index
        %get3A_395 = tpu.vector_load %arg8[%get3A_393, %get3A_394] {strides = array<i32>} : memref<800x32xf32, #tpu.memory_space<vmem>>, vector<16xf32>,
        %add3A_396 = arith.addf %add3A_384, %get3A_395 : vector<16xf32>
        %add3A_397 = arith.constant 25 : i32
        %add3A_398 = arith.addi %mul3A_94, %add3A_397 : i32
        %get3A_399 = arith.index_cast %add3A_398 : i32 to index
        %get3A_400 = arith.constant 0 : index
        %get3A_401 = tpu.vector_load %arg8[%get3A_399, %get3A_400] {strides = array<i32>} : memref<800x32xf32, #tpu.memory_space<vmem>>, vector<16xf32>,
        %add3A_402 = arith.addf %add3A_390, %get3A_401 : vector<16xf32>
        %add3A_403 = arith.constant 25 : i32
        %add3A_404 = arith.addi %mul3A_94, %add3A_403 : i32
        %get3A_405 = arith.index_cast %add3A_404 : i32 to index
        %get3A_406 = arith.constant 16 : index
        %get3A_407 = tpu.vector_load %arg8[%get3A_405, %get3A_406] {strides = array<i32>} : memref<800x32xf32, #tpu.memory_space<vmem>>, vector<16xf32>,
        %add3A_408 = arith.addf %add3A_396, %get3A_407 : vector<16xf32>
        %add3A_409 = arith.constant 26 : i32
        %add3A_410 = arith.addi %mul3A_94, %add3A_409 : i32
        %get3A_411 = arith.index_cast %add3A_410 : i32 to index
        %get3A_412 = arith.constant 0 : index
        %get3A_413 = tpu.vector_load %arg8[%get3A_411, %get3A_412] {strides = array<i32>} : memref<800x32xf32, #tpu.memory_space<vmem>>, vector<16xf32>,
        %add3A_414 = arith.addf %add3A_402, %get3A_413 : vector<16xf32>
        %add3A_415 = arith.constant 26 : i32
        %add3A_416 = arith.addi %mul3A_94, %add3A_415 : i32
        %get3A_417 = arith.index_cast %add3A_416 : i32 to index
        %get3A_418 = arith.constant 16 : index
        %get3A_419 = tpu.vector_load %arg8[%get3A_417, %get3A_418] {strides = array<i32>} : memref<800x32xf32, #tpu.memory_space<vmem>>, vector<16xf32>,
        %add3A_420 = arith.addf %add3A_408, %get3A_419 : vector<16xf32>
        %add3A_421 = arith.constant 27 : i32
        %add3A_422 = arith.addi %mul3A_94, %add3A_421 : i32
        %get3A_423 = arith.index_cast %add3A_422 : i32 to index
        %get3A_424 = arith.constant 0 : index
        %get3A_425 = tpu.vector_load %arg8[%get3A_423, %get3A_424] {strides = array<i32>} : memref<800x32xf32, #tpu.memory_space<vmem>>, vector<16xf32>,
        %add3A_426 = arith.addf %add3A_414, %get3A_425 : vector<16xf32>
        %add3A_427 = arith.constant 27 : i32
        %add3A_428 = arith.addi %mul3A_94, %add3A_427 : i32
        %get3A_429 = arith.index_cast %add3A_428 : i32 to index
        %get3A_430 = arith.constant 16 : index
        %get3A_431 = tpu.vector_load %arg8[%get3A_429, %get3A_430] {strides = array<i32>} : memref<800x32xf32, #tpu.memory_space<vmem>>, vector<16xf32>,
        %add3A_432 = arith.addf %add3A_420, %get3A_431 : vector<16xf32>
        %add3A_433 = arith.constant 28 : i32
        %add3A_434 = arith.addi %mul3A_94, %add3A_433 : i32
        %get3A_435 = arith.index_cast %add3A_434 : i32 to index
        %get3A_436 = arith.constant 0 : index
        %get3A_437 = tpu.vector_load %arg8[%get3A_435, %get3A_436] {strides = array<i32>} : memref<800x32xf32, #tpu.memory_space<vmem>>, vector<16xf32>,
        %add3A_438 = arith.addf %add3A_426, %get3A_437 : vector<16xf32>
        %add3A_439 = arith.constant 28 : i32
        %add3A_440 = arith.addi %mul3A_94, %add3A_439 : i32
        %get3A_441 = arith.index_cast %add3A_440 : i32 to index
        %get3A_442 = arith.constant 16 : index
        %get3A_443 = tpu.vector_load %arg8[%get3A_441, %get3A_442] {strides = array<i32>} : memref<800x32xf32, #tpu.memory_space<vmem>>, vector<16xf32>,
        %add3A_444 = arith.addf %add3A_432, %get3A_443 : vector<16xf32>
        %add3A_445 = arith.constant 29 : i32
        %add3A_446 = arith.addi %mul3A_94, %add3A_445 : i32
        %get3A_447 = arith.index_cast %add3A_446 : i32 to index
        %get3A_448 = arith.constant 0 : index
        %get3A_449 = tpu.vector_load %arg8[%get3A_447, %get3A_448] {strides = array<i32>} : memref<800x32xf32, #tpu.memory_space<vmem>>, vector<16xf32>,
        %add3A_450 = arith.addf %add3A_438, %get3A_449 : vector<16xf32>
        %add3A_451 = arith.constant 29 : i32
        %add3A_452 = arith.addi %mul3A_94, %add3A_451 : i32
        %get3A_453 = arith.index_cast %add3A_452 : i32 to index
        %get3A_454 = arith.constant 16 : index
        %get3A_455 = tpu.vector_load %arg8[%get3A_453, %get3A_454] {strides = array<i32>} : memref<800x32xf32, #tpu.memory_space<vmem>>, vector<16xf32>,
        %add3A_456 = arith.addf %add3A_444, %get3A_455 : vector<16xf32>
        %add3A_457 = arith.constant 30 : i32
        %add3A_458 = arith.addi %mul3A_94, %add3A_457 : i32
        %get3A_459 = arith.index_cast %add3A_458 : i32 to index
        %get3A_460 = arith.constant 0 : index
        %get3A_461 = tpu.vector_load %arg8[%get3A_459, %get3A_460] {strides = array<i32>} : memref<800x32xf32, #tpu.memory_space<vmem>>, vector<16xf32>,
        %add3A_462 = arith.addf %add3A_450, %get3A_461 : vector<16xf32>
        %add3A_463 = arith.constant 30 : i32
        %add3A_464 = arith.addi %mul3A_94, %add3A_463 : i32
        %get3A_465 = arith.index_cast %add3A_464 : i32 to index
        %get3A_466 = arith.constant 16 : index
        %get3A_467 = tpu.vector_load %arg8[%get3A_465, %get3A_466] {strides = array<i32>} : memref<800x32xf32, #tpu.memory_space<vmem>>, vector<16xf32>,
        %add3A_468 = arith.addf %add3A_456, %get3A_467 : vector<16xf32>
        %add3A_469 = arith.constant 31 : i32
        %add3A_470 = arith.addi %mul3A_94, %add3A_469 : i32
        %get3A_471 = arith.index_cast %add3A_470 : i32 to index
        %get3A_472 = arith.constant 0 : index
        %get3A_473 = tpu.vector_load %arg8[%get3A_471, %get3A_472] {strides = array<i32>} : memref<800x32xf32, #tpu.memory_space<vmem>>, vector<16xf32>,
        %add3A_474 = arith.addf %add3A_462, %get3A_473 : vector<16xf32>
        %add3A_475 = arith.constant 31 : i32
        %add3A_476 = arith.addi %mul3A_94, %add3A_475 : i32
        %get3A_477 = arith.index_cast %add3A_476 : i32 to index
        %get3A_478 = arith.constant 16 : index
        %get3A_479 = tpu.vector_load %arg8[%get3A_477, %get3A_478] {strides = array<i32>} : memref<800x32xf32, #tpu.memory_space<vmem>>, vector<16xf32>,
        %add3A_480 = arith.addf %add3A_468, %get3A_479 : vector<16xf32>
        %add3A_481 = arith.constant 32 : i32
        %add3A_482 = arith.addi %mul3A_94, %add3A_481 : i32
        %get3A_483 = arith.index_cast %add3A_482 : i32 to index
        %get3A_484 = arith.constant 0 : index
        %get3A_485 = tpu.vector_load %arg8[%get3A_483, %get3A_484] {strides = array<i32>} : memref<800x32xf32, #tpu.memory_space<vmem>>, vector<16xf32>,
        %add3A_486 = arith.addf %add3A_474, %get3A_485 : vector<16xf32>
        %add3A_487 = arith.constant 32 : i32
        %add3A_488 = arith.addi %mul3A_94, %add3A_487 : i32
        %get3A_489 = arith.index_cast %add3A_488 : i32 to index
        %get3A_490 = arith.constant 16 : index
        %get3A_491 = tpu.vector_load %arg8[%get3A_489, %get3A_490] {strides = array<i32>} : memref<800x32xf32, #tpu.memory_space<vmem>>, vector<16xf32>,
        %add3A_492 = arith.addf %add3A_480, %get3A_491 : vector<16xf32>
        %add3A_493 = arith.constant 33 : i32
        %add3A_494 = arith.addi %mul3A_94, %add3A_493 : i32
        %get3A_495 = arith.index_cast %add3A_494 : i32 to index
        %get3A_496 = arith.constant 0 : index
        %get3A_497 = tpu.vector_load %arg8[%get3A_495, %get3A_496] {strides = array<i32>} : memref<800x32xf32, #tpu.memory_space<vmem>>, vector<16xf32>,
        %add3A_498 = arith.addf %add3A_486, %get3A_497 : vector<16xf32>
        %add3A_499 = arith.constant 33 : i32
        %add3A_500 = arith.addi %mul3A_94, %add3A_499 : i32
        %get3A_501 = arith.index_cast %add3A_500 : i32 to index
        %get3A_502 = arith.constant 16 : index
        %get3A_503 = tpu.vector_load %arg8[%get3A_501, %get3A_502] {strides = array<i32>} : memref<800x32xf32, #tpu.memory_space<vmem>>, vector<16xf32>,
        %add3A_504 = arith.addf %add3A_492, %get3A_503 : vector<16xf32>
        %add3A_505 = arith.constant 34 : i32
        %add3A_506 = arith.addi %mul3A_94, %add3A_505 : i32
        %get3A_507 = arith.index_cast %add3A_506 : i32 to index
        %get3A_508 = arith.constant 0 : index
        %get3A_509 = tpu.vector_load %arg8[%get3A_507, %get3A_508] {strides = array<i32>} : memref<800x32xf32, #tpu.memory_space<vmem>>, vector<16xf32>,
        %add3A_510 = arith.addf %add3A_498, %get3A_509 : vector<16xf32>
        %add3A_511 = arith.constant 34 : i32
        %add3A_512 = arith.addi %mul3A_94, %add3A_511 : i32
        %get3A_513 = arith.index_cast %add3A_512 : i32 to index
        %get3A_514 = arith.constant 16 : index
        %get3A_515 = tpu.vector_load %arg8[%get3A_513, %get3A_514] {strides = array<i32>} : memref<800x32xf32, #tpu.memory_space<vmem>>, vector<16xf32>,
        %add3A_516 = arith.addf %add3A_504, %get3A_515 : vector<16xf32>
        %add3A_517 = arith.constant 35 : i32
        %add3A_518 = arith.addi %mul3A_94, %add3A_517 : i32
        %get3A_519 = arith.index_cast %add3A_518 : i32 to index
        %get3A_520 = arith.constant 0 : index
        %get3A_521 = tpu.vector_load %arg8[%get3A_519, %get3A_520] {strides = array<i32>} : memref<800x32xf32, #tpu.memory_space<vmem>>, vector<16xf32>,
        %add3A_522 = arith.addf %add3A_510, %get3A_521 : vector<16xf32>
        %add3A_523 = arith.constant 35 : i32
        %add3A_524 = arith.addi %mul3A_94, %add3A_523 : i32
        %get3A_525 = arith.index_cast %add3A_524 : i32 to index
        %get3A_526 = arith.constant 16 : index
        %get3A_527 = tpu.vector_load %arg8[%get3A_525, %get3A_526] {strides = array<i32>} : memref<800x32xf32, #tpu.memory_space<vmem>>, vector<16xf32>,
        %add3A_528 = arith.addf %add3A_516, %get3A_527 : vector<16xf32>
        %add3A_529 = arith.constant 36 : i32
        %add3A_530 = arith.addi %mul3A_94, %add3A_529 : i32
        %get3A_531 = arith.index_cast %add3A_530 : i32 to index
        %get3A_532 = arith.constant 0 : index
        %get3A_533 = tpu.vector_load %arg8[%get3A_531, %get3A_532] {strides = array<i32>} : memref<800x32xf32, #tpu.memory_space<vmem>>, vector<16xf32>,
        %add3A_534 = arith.addf %add3A_522, %get3A_533 : vector<16xf32>
        %add3A_535 = arith.constant 36 : i32
        %add3A_536 = arith.addi %mul3A_94, %add3A_535 : i32
        %get3A_537 = arith.index_cast %add3A_536 : i32 to index
        %get3A_538 = arith.constant 16 : index
        %get3A_539 = tpu.vector_load %arg8[%get3A_537, %get3A_538] {strides = array<i32>} : memref<800x32xf32, #tpu.memory_space<vmem>>, vector<16xf32>,
        %add3A_540 = arith.addf %add3A_528, %get3A_539 : vector<16xf32>
        %add3A_541 = arith.constant 37 : i32
        %add3A_542 = arith.addi %mul3A_94, %add3A_541 : i32
        %get3A_543 = arith.index_cast %add3A_542 : i32 to index
        %get3A_544 = arith.constant 0 : index
        %get3A_545 = tpu.vector_load %arg8[%get3A_543, %get3A_544] {strides = array<i32>} : memref<800x32xf32, #tpu.memory_space<vmem>>, vector<16xf32>,
        %add3A_546 = arith.addf %add3A_534, %get3A_545 : vector<16xf32>
        %add3A_547 = arith.constant 37 : i32
        %add3A_548 = arith.addi %mul3A_94, %add3A_547 : i32
        %get3A_549 = arith.index_cast %add3A_548 : i32 to index
        %get3A_550 = arith.constant 16 : index
        %get3A_551 = tpu.vector_load %arg8[%get3A_549, %get3A_550] {strides = array<i32>} : memref<800x32xf32, #tpu.memory_space<vmem>>, vector<16xf32>,
        %add3A_552 = arith.addf %add3A_540, %get3A_551 : vector<16xf32>
        %add3A_553 = arith.constant 38 : i32
        %add3A_554 = arith.addi %mul3A_94, %add3A_553 : i32
        %get3A_555 = arith.index_cast %add3A_554 : i32 to index
        %get3A_556 = arith.constant 0 : index
        %get3A_557 = tpu.vector_load %arg8[%get3A_555, %get3A_556] {strides = array<i32>} : memref<800x32xf32, #tpu.memory_space<vmem>>, vector<16xf32>,
        %add3A_558 = arith.addf %add3A_546, %get3A_557 : vector<16xf32>
        %add3A_559 = arith.constant 38 : i32
        %add3A_560 = arith.addi %mul3A_94, %add3A_559 : i32
        %get3A_561 = arith.index_cast %add3A_560 : i32 to index
        %get3A_562 = arith.constant 16 : index
        %get3A_563 = tpu.vector_load %arg8[%get3A_561, %get3A_562] {strides = array<i32>} : memref<800x32xf32, #tpu.memory_space<vmem>>, vector<16xf32>,
        %add3A_564 = arith.addf %add3A_552, %get3A_563 : vector<16xf32>
        %add3A_565 = arith.constant 39 : i32
        %add3A_566 = arith.addi %mul3A_94, %add3A_565 : i32
        %get3A_567 = arith.index_cast %add3A_566 : i32 to index
        %get3A_568 = arith.constant 0 : index
        %get3A_569 = tpu.vector_load %arg8[%get3A_567, %get3A_568] {strides = array<i32>} : memref<800x32xf32, #tpu.memory_space<vmem>>, vector<16xf32>,
        %add3A_570 = arith.addf %add3A_558, %get3A_569 : vector<16xf32>
        %add3A_571 = arith.constant 39 : i32
        %add3A_572 = arith.addi %mul3A_94, %add3A_571 : i32
        %get3A_573 = arith.index_cast %add3A_572 : i32 to index
        %get3A_574 = arith.constant 16 : index
        %get3A_575 = tpu.vector_load %arg8[%get3A_573, %get3A_574] {strides = array<i32>} : memref<800x32xf32, #tpu.memory_space<vmem>>, vector<16xf32>,
        %add3A_576 = arith.addf %add3A_564, %get3A_575 : vector<16xf32>
        %add3A_577 = arith.constant 40 : i32
        %add3A_578 = arith.addi %mul3A_94, %add3A_577 : i32
        %get3A_579 = arith.index_cast %add3A_578 : i32 to index
        %get3A_580 = arith.constant 0 : index
        %get3A_581 = tpu.vector_load %arg8[%get3A_579, %get3A_580] {strides = array<i32>} : memref<800x32xf32, #tpu.memory_space<vmem>>, vector<16xf32>,
        %add3A_582 = arith.addf %add3A_570, %get3A_581 : vector<16xf32>
        %add3A_583 = arith.constant 40 : i32
        %add3A_584 = arith.addi %mul3A_94, %add3A_583 : i32
        %get3A_585 = arith.index_cast %add3A_584 : i32 to index
        %get3A_586 = arith.constant 16 : index
        %get3A_587 = tpu.vector_load %arg8[%get3A_585, %get3A_586] {strides = array<i32>} : memref<800x32xf32, #tpu.memory_space<vmem>>, vector<16xf32>,
        %add3A_588 = arith.addf %add3A_576, %get3A_587 : vector<16xf32>
        %add3A_589 = arith.constant 41 : i32
        %add3A_590 = arith.addi %mul3A_94, %add3A_589 : i32
        %get3A_591 = arith.index_cast %add3A_590 : i32 to index
        %get3A_592 = arith.constant 0 : index
        %get3A_593 = tpu.vector_load %arg8[%get3A_591, %get3A_592] {strides = array<i32>} : memref<800x32xf32, #tpu.memory_space<vmem>>, vector<16xf32>,
        %add3A_594 = arith.addf %add3A_582, %get3A_593 : vector<16xf32>
        %add3A_595 = arith.constant 41 : i32
        %add3A_596 = arith.addi %mul3A_94, %add3A_595 : i32
        %get3A_597 = arith.index_cast %add3A_596 : i32 to index
        %get3A_598 = arith.constant 16 : index
        %get3A_599 = tpu.vector_load %arg8[%get3A_597, %get3A_598] {strides = array<i32>} : memref<800x32xf32, #tpu.memory_space<vmem>>, vector<16xf32>,
        %add3A_600 = arith.addf %add3A_588, %get3A_599 : vector<16xf32>
        %add3A_601 = arith.constant 42 : i32
        %add3A_602 = arith.addi %mul3A_94, %add3A_601 : i32
        %get3A_603 = arith.index_cast %add3A_602 : i32 to index
        %get3A_604 = arith.constant 0 : index
        %get3A_605 = tpu.vector_load %arg8[%get3A_603, %get3A_604] {strides = array<i32>} : memref<800x32xf32, #tpu.memory_space<vmem>>, vector<16xf32>,
        %add3A_606 = arith.addf %add3A_594, %get3A_605 : vector<16xf32>
        %add3A_607 = arith.constant 42 : i32
        %add3A_608 = arith.addi %mul3A_94, %add3A_607 : i32
        %get3A_609 = arith.index_cast %add3A_608 : i32 to index
        %get3A_610 = arith.constant 16 : index
        %get3A_611 = tpu.vector_load %arg8[%get3A_609, %get3A_610] {strides = array<i32>} : memref<800x32xf32, #tpu.memory_space<vmem>>, vector<16xf32>,
        %add3A_612 = arith.addf %add3A_600, %get3A_611 : vector<16xf32>
        %add3A_613 = arith.constant 43 : i32
        %add3A_614 = arith.addi %mul3A_94, %add3A_613 : i32
        %get3A_615 = arith.index_cast %add3A_614 : i32 to index
        %get3A_616 = arith.constant 0 : index
        %get3A_617 = tpu.vector_load %arg8[%get3A_615, %get3A_616] {strides = array<i32>} : memref<800x32xf32, #tpu.memory_space<vmem>>, vector<16xf32>,
        %add3A_618 = arith.addf %add3A_606, %get3A_617 : vector<16xf32>
        %add3A_619 = arith.constant 43 : i32
        %add3A_620 = arith.addi %mul3A_94, %add3A_619 : i32
        %get3A_621 = arith.index_cast %add3A_620 : i32 to index
        %get3A_622 = arith.constant 16 : index
        %get3A_623 = tpu.vector_load %arg8[%get3A_621, %get3A_622] {strides = array<i32>} : memref<800x32xf32, #tpu.memory_space<vmem>>, vector<16xf32>,
        %add3A_624 = arith.addf %add3A_612, %get3A_623 : vector<16xf32>
        %add3A_625 = arith.constant 44 : i32
        %add3A_626 = arith.addi %mul3A_94, %add3A_625 : i32
        %get3A_627 = arith.index_cast %add3A_626 : i32 to index
        %get3A_628 = arith.constant 0 : index
        %get3A_629 = tpu.vector_load %arg8[%get3A_627, %get3A_628] {strides = array<i32>} : memref<800x32xf32, #tpu.memory_space<vmem>>, vector<16xf32>,
        %add3A_630 = arith.addf %add3A_618, %get3A_629 : vector<16xf32>
        %add3A_631 = arith.constant 44 : i32
        %add3A_632 = arith.addi %mul3A_94, %add3A_631 : i32
        %get3A_633 = arith.index_cast %add3A_632 : i32 to index
        %get3A_634 = arith.constant 16 : index
        %get3A_635 = tpu.vector_load %arg8[%get3A_633, %get3A_634] {strides = array<i32>} : memref<800x32xf32, #tpu.memory_space<vmem>>, vector<16xf32>,
        %add3A_636 = arith.addf %add3A_624, %get3A_635 : vector<16xf32>
        %add3A_637 = arith.constant 45 : i32
        %add3A_638 = arith.addi %mul3A_94, %add3A_637 : i32
        %get3A_639 = arith.index_cast %add3A_638 : i32 to index
        %get3A_640 = arith.constant 0 : index
        %get3A_641 = tpu.vector_load %arg8[%get3A_639, %get3A_640] {strides = array<i32>} : memref<800x32xf32, #tpu.memory_space<vmem>>, vector<16xf32>,
        %add3A_642 = arith.addf %add3A_630, %get3A_641 : vector<16xf32>
        %add3A_643 = arith.constant 45 : i32
        %add3A_644 = arith.addi %mul3A_94, %add3A_643 : i32
        %get3A_645 = arith.index_cast %add3A_644 : i32 to index
        %get3A_646 = arith.constant 16 : index
        %get3A_647 = tpu.vector_load %arg8[%get3A_645, %get3A_646] {strides = array<i32>} : memref<800x32xf32, #tpu.memory_space<vmem>>, vector<16xf32>,
        %add3A_648 = arith.addf %add3A_636, %get3A_647 : vector<16xf32>
        %add3A_649 = arith.constant 46 : i32
        %add3A_650 = arith.addi %mul3A_94, %add3A_649 : i32
        %get3A_651 = arith.index_cast %add3A_650 : i32 to index
        %get3A_652 = arith.constant 0 : index
        %get3A_653 = tpu.vector_load %arg8[%get3A_651, %get3A_652] {strides = array<i32>} : memref<800x32xf32, #tpu.memory_space<vmem>>, vector<16xf32>,
        %add3A_654 = arith.addf %add3A_642, %get3A_653 : vector<16xf32>
        %add3A_655 = arith.constant 46 : i32
        %add3A_656 = arith.addi %mul3A_94, %add3A_655 : i32
        %get3A_657 = arith.index_cast %add3A_656 : i32 to index
        %get3A_658 = arith.constant 16 : index
        %get3A_659 = tpu.vector_load %arg8[%get3A_657, %get3A_658] {strides = array<i32>} : memref<800x32xf32, #tpu.memory_space<vmem>>, vector<16xf32>,
        %add3A_660 = arith.addf %add3A_648, %get3A_659 : vector<16xf32>
        %add3A_661 = arith.constant 47 : i32
        %add3A_662 = arith.addi %mul3A_94, %add3A_661 : i32
        %get3A_663 = arith.index_cast %add3A_662 : i32 to index
        %get3A_664 = arith.constant 0 : index
        %get3A_665 = tpu.vector_load %arg8[%get3A_663, %get3A_664] {strides = array<i32>} : memref<800x32xf32, #tpu.memory_space<vmem>>, vector<16xf32>,
        %add3A_666 = arith.addf %add3A_654, %get3A_665 : vector<16xf32>
        %add3A_667 = arith.constant 47 : i32
        %add3A_668 = arith.addi %mul3A_94, %add3A_667 : i32
        %get3A_669 = arith.index_cast %add3A_668 : i32 to index
        %get3A_670 = arith.constant 16 : index
        %get3A_671 = tpu.vector_load %arg8[%get3A_669, %get3A_670] {strides = array<i32>} : memref<800x32xf32, #tpu.memory_space<vmem>>, vector<16xf32>,
        %add3A_672 = arith.addf %add3A_660, %get3A_671 : vector<16xf32>
        %add3A_673 = arith.constant 48 : i32
        %add3A_674 = arith.addi %mul3A_94, %add3A_673 : i32
        %get3A_675 = arith.index_cast %add3A_674 : i32 to index
        %get3A_676 = arith.constant 0 : index
        %get3A_677 = tpu.vector_load %arg8[%get3A_675, %get3A_676] {strides = array<i32>} : memref<800x32xf32, #tpu.memory_space<vmem>>, vector<16xf32>,
        %add3A_678 = arith.addf %add3A_666, %get3A_677 : vector<16xf32>
        %add3A_679 = arith.constant 48 : i32
        %add3A_680 = arith.addi %mul3A_94, %add3A_679 : i32
        %get3A_681 = arith.index_cast %add3A_680 : i32 to index
        %get3A_682 = arith.constant 16 : index
        %get3A_683 = tpu.vector_load %arg8[%get3A_681, %get3A_682] {strides = array<i32>} : memref<800x32xf32, #tpu.memory_space<vmem>>, vector<16xf32>,
        %add3A_684 = arith.addf %add3A_672, %get3A_683 : vector<16xf32>
        %add3A_685 = arith.constant 49 : i32
        %add3A_686 = arith.addi %mul3A_94, %add3A_685 : i32
        %get3A_687 = arith.index_cast %add3A_686 : i32 to index
        %get3A_688 = arith.constant 0 : index
        %get3A_689 = tpu.vector_load %arg8[%get3A_687, %get3A_688] {strides = array<i32>} : memref<800x32xf32, #tpu.memory_space<vmem>>, vector<16xf32>,
        %add3A_690 = arith.addf %add3A_678, %get3A_689 : vector<16xf32>
        %add3A_691 = arith.constant 49 : i32
        %add3A_692 = arith.addi %mul3A_94, %add3A_691 : i32
        %get3A_693 = arith.index_cast %add3A_692 : i32 to index
        %get3A_694 = arith.constant 16 : index
        %get3A_695 = tpu.vector_load %arg8[%get3A_693, %get3A_694] {strides = array<i32>} : memref<800x32xf32, #tpu.memory_space<vmem>>, vector<16xf32>,
        %add3A_696 = arith.addf %add3A_684, %get3A_695 : vector<16xf32>
        %broadcast_in_dim3A_697 = arith.constant 0 : i32
        %broadcast_in_dim3A_698 = vector.broadcast %broadcast_in_dim3A_697 : i32 to vector<16xi32>
        %add3A_699 = arith.constant 0 : i32
        %add3A_700 = arith.addi %mul3A_94, %add3A_699 : i32
        %get3A_701 = arith.index_cast %add3A_700 : i32 to index
        %get3A_702 = tpu.vector_load %arg6[%get3A_701] {strides = array<i32>} : memref<800xi32, #tpu.memory_space<vmem>>, vector<16xi32>,
        %ne3A = arith.constant 0 : i32
        %ne3A_703 = vector.broadcast %ne3A : i32 to vector<16xi32>
        %ne3A_704 = arith.cmpi ne, %get3A_702, %ne3A_703 : vector<16xi32>
        %all_reduce_population_count3A = tpu.all_reduce %ne3A_704 {dim = 0 : i64, kind = #tpu.reduction_kind<sum>} : vector<16xi1> -> vector<16xi32>
        %add3A_705 = arith.addi %broadcast_in_dim3A_698, %all_reduce_population_count3A : vector<16xi32>
        %add3A_706 = arith.constant 16 : i32
        %add3A_707 = arith.addi %mul3A_94, %add3A_706 : i32
        %get3A_708 = arith.index_cast %add3A_707 : i32 to index
        %get3A_709 = tpu.vector_load %arg6[%get3A_708] {strides = array<i32>} : memref<800xi32, #tpu.memory_space<vmem>>, vector<16xi32>,
        %ne3A_710 = arith.constant 0 : i32
        %ne3A_711 = vector.broadcast %ne3A_710 : i32 to vector<16xi32>
        %ne3A_712 = arith.cmpi ne, %get3A_709, %ne3A_711 : vector<16xi32>
        %all_reduce_population_count3A_713 = tpu.all_reduce %ne3A_712 {dim = 0 : i64, kind = #tpu.reduction_kind<sum>} : vector<16xi1> -> vector<16xi32>
        %add3A_714 = arith.addi %add3A_705, %all_reduce_population_count3A_713 : vector<16xi32>
        %add3A_715 = arith.constant 32 : i32
        %add3A_716 = arith.addi %mul3A_94, %add3A_715 : i32
        %get3A_717 = arith.index_cast %add3A_716 : i32 to index
        %get3A_718 = tpu.vector_load %arg6[%get3A_717] {strides = array<i32>} : memref<800xi32, #tpu.memory_space<vmem>>, vector<16xi32>,
        %ne3A_719 = arith.constant 0 : i32
        %ne3A_720 = vector.broadcast %ne3A_719 : i32 to vector<16xi32>
        %ne3A_721 = arith.cmpi ne, %get3A_718, %ne3A_720 : vector<16xi32>
        %all_reduce_population_count3A_722 = tpu.all_reduce %ne3A_721 {dim = 0 : i64, kind = #tpu.reduction_kind<sum>} : vector<16xi1> -> vector<16xi32>
        %add3A_723 = arith.addi %add3A_714, %all_reduce_population_count3A_722 : vector<16xi32>
        %add3A_724 = arith.constant 50 : i32
        %add3A_725 = arith.addi %mul3A_94, %add3A_724 : i32
        %sub3A = arith.constant 16 : i32
        %sub3A_726 = arith.subi %add3A_725, %sub3A : i32
        %get3A_727 = arith.index_cast %sub3A_726 : i32 to index
        %get3A_728 = tpu.vector_load %arg6[%get3A_727] {strides = array<i32>} : memref<800xi32, #tpu.memory_space<vmem>>, vector<16xi32>,
        %iota3A = tpu.iota {dimensions = array<i32: 0>} : vector<16xi32>
        %ne3A_729 = arith.constant 0 : i32
        %ne3A_730 = vector.broadcast %ne3A_729 : i32 to vector<16xi32>
        %ne3A_731 = arith.cmpi ne, %get3A_728, %ne3A_730 : vector<16xi32>
        %ge3A_732 = arith.constant 14 : i32
        %ge3A_733 = vector.broadcast %ge3A_732 : i32 to vector<16xi32>
        %ge3A_734 = arith.cmpi sge, %iota3A, %ge3A_733 : vector<16xi32>
        %and3A = arith.andi %ne3A_731, %ge3A_734 : vector<16xi1>
        %all_reduce_population_count3A_735 = tpu.all_reduce %and3A {dim = 0 : i64, kind = #tpu.reduction_kind<sum>} : vector<16xi1> -> vector<16xi32>
        %add3A_736 = arith.addi %add3A_723, %all_reduce_population_count3A_735 : vector<16xi32>
        %convert_element_type3A_737 = arith.sitofp %add3A_736 : vector<16xi32> to vector<16xf32>
        %max3A = arith.constant 1.000000e+00 : f32
        %max3A_738 = vector.broadcast %max3A : f32 to vector<16xf32>
        %max3A_739 = arith.maximumf %convert_element_type3A_737, %max3A_738 : vector<16xf32>
        %div3A = arith.divf %add3A_690, %max3A_739 : vector<16xf32>
        %swap3A = arith.index_cast %add3A_92 : i32 to index
        %swap3A_740 = arith.constant 0 : index
        %swap3A_741 = tpu.vector_load %arg10[%swap3A, %swap3A_740] {strides = array<i32>} : memref<16x32xf32, #tpu.memory_space<vmem>>, vector<16xf32>,
        tpu.vector_store %arg10[%swap3A, %swap3A_740], %div3A {strides = array<i32>} : memref<16x32xf32, #tpu.memory_space<vmem>>, vector<16xf32>,
        %div3A_742 = arith.divf %add3A_696, %max3A_739 : vector<16xf32>
        %swap3A_743 = arith.index_cast %add3A_92 : i32 to index
        %swap3A_744 = arith.constant 16 : index
        %swap3A_745 = tpu.vector_load %arg10[%swap3A_743, %swap3A_744] {strides = array<i32>} : memref<16x32xf32, #tpu.memory_space<vmem>>, vector<16xf32>,
        tpu.vector_store %arg10[%swap3A_743, %swap3A_744], %div3A_742 {strides = array<i32>} : memref<16x32xf32, #tpu.memory_space<vmem>>, vector<16xf32>,
      }
      %scan3A_76 = arith.constant 16 : i32
      %dma_start3A_77 = arith.constant 0 : i32
      %dma_start3A_78 = tpu.memref_slice %arg4[%add3A_63, %dma_start3A_77] : memref<16384x32xf32, #tpu.memory_space<hbm>> -> memref<16x32xf32, #tpu.memory_space<hbm>>
      %dma_start3A_79 = arith.constant 0 : i32
      %dma_start3A_80 = tpu.memref_slice %arg4[%add3A_63, %dma_start3A_79] : memref<16384x32xf32, #tpu.memory_space<hbm>> -> memref<16x32xf32, #tpu.memory_space<hbm>>
      tpu.enqueue_dma source(%arg10 : memref<16x32xf32, #tpu.memory_space<vmem>>) target(%dma_start3A_80 : memref<16x32xf32, #tpu.memory_space<hbm>>) target_semaphore(%arg14 : memref<!tpu.dma_semaphore, #tpu.memory_space<semaphore_mem>>)
      %add3A_81 = arith.constant 2 : i32
      %add3A_82 = arith.addi %add3A_60, %add3A_81 : i32
      %lt3A_83 = arith.constant 32 : i32
      %lt3A_84 = arith.cmpi slt, %add3A_82, %lt3A_83 : i32
      %convert_element_type3A_85 = arith.extui %lt3A_84 : i1 to i32
      %cond3A_86 = arith.constant 0 : i32
      %cond3A_87 = arith.cmpi ne, %convert_element_type3A_85, %cond3A_86 : i32
      scf.if %cond3A_87 {
        %add3A_88 = arith.constant 2 : i32
        %add3A_89 = arith.addi %add3A_60, %add3A_88 : i32
        %add3A_90 = arith.addi %mul3A_2, %add3A_89 : i32
        "tpu.region"() ({
          %run_scoped3A = tpu.sem_alloc : memref<!tpu.dma_semaphore, #tpu.memory_space<semaphore_mem>>
          %dma_start3A_94 = arith.constant 0 : i32
          %dma_start3A_95 = tpu.memref_slice %arg2[%add3A_90, %dma_start3A_94] : memref<1024x800xi32, #tpu.memory_space<hbm>> -> memref<1x800xi32, #tpu.memory_space<hbm>>
          %dma_start3A_96 = tpu.memref_squeeze %dma_start3A_95 : memref<1x800xi32, #tpu.memory_space<hbm>> -> memref<800xi32, #tpu.memory_space<hbm>>
          %dma_start3A_97 = arith.constant 0 : i32
          %dma_start3A_98 = tpu.memref_slice %arg2[%add3A_90, %dma_start3A_97] : memref<1024x800xi32, #tpu.memory_space<hbm>> -> memref<1x800xi32, #tpu.memory_space<hbm>>
          %dma_start3A_99 = tpu.memref_squeeze %dma_start3A_98 : memref<1x800xi32, #tpu.memory_space<hbm>> -> memref<800xi32, #tpu.memory_space<hbm>>
          tpu.enqueue_dma source(%dma_start3A_99 : memref<800xi32, #tpu.memory_space<hbm>>) target(%arg6 : memref<800xi32, #tpu.memory_space<vmem>>) target_semaphore(%run_scoped3A : memref<!tpu.dma_semaphore, #tpu.memory_space<semaphore_mem>>)
          %dma_wait3A_100 = arith.constant 0 : i32
          %dma_wait3A_101 = tpu.memref_slice %arg2[%add3A_90, %dma_wait3A_100] : memref<1024x800xi32, #tpu.memory_space<hbm>> -> memref<1x800xi32, #tpu.memory_space<hbm>>
          %dma_wait3A_102 = tpu.memref_squeeze %dma_wait3A_101 : memref<1x800xi32, #tpu.memory_space<hbm>> -> memref<800xi32, #tpu.memory_space<hbm>>
          %dma_wait3A_103 = arith.constant 0 : i32
          %dma_wait3A_104 = tpu.memref_slice %arg2[%add3A_90, %dma_wait3A_103] : memref<1024x800xi32, #tpu.memory_space<hbm>> -> memref<1x800xi32, #tpu.memory_space<hbm>>
          %dma_wait3A_105 = tpu.memref_squeeze %dma_wait3A_104 : memref<1x800xi32, #tpu.memory_space<hbm>> -> memref<800xi32, #tpu.memory_space<hbm>>
          tpu.wait_dma2 semaphore(%run_scoped3A : memref<!tpu.dma_semaphore, #tpu.memory_space<semaphore_mem>>) src(%dma_wait3A_105 : memref<800xi32, #tpu.memory_space<hbm>>) dst(%arg6 : memref<800xi32, #tpu.memory_space<vmem>>)
          tpu.yield
        }) : () -> ()
        %dma_start3A_91 = arith.constant 0 : i32
        %dma_start3A_92 = arith.constant 0 : i32
        %dma_start3A_93 = tpu.memref_slice %arg3[%dma_start3A_91, %dma_start3A_92] : memref<4000000x32xf32, #tpu.memory_space<hbm>> -> memref<4000000x32xf32, #tpu.memory_space<hbm>>
        tpu.enqueue_indirect_dma source(%dma_start3A_93 : memref<4000000x32xf32, #tpu.memory_space<hbm>>) target(%arg8 : memref<800x32xf32, #tpu.memory_space<vmem>>) offsets(%arg6 : memref<800xi32, #tpu.memory_space<vmem>>) semaphore(%arg12 : memref<!tpu.dma_semaphore, #tpu.memory_space<semaphore_mem>>)
      } else {
      }
    }
    %scan3A_17 = arith.constant 16 : i32
    %dma_wait3A = arith.constant 0 : i32
    %dma_wait3A_18 = arith.constant 0 : i32
    %dma_wait3A_19 = tpu.memref_slice %arg4[%dma_wait3A, %dma_wait3A_18] : memref<16384x32xf32, #tpu.memory_space<hbm>> -> memref<16x32xf32, #tpu.memory_space<hbm>>
    %dma_wait3A_20 = arith.constant 0 : i32
    %dma_wait3A_21 = arith.constant 0 : i32
    %dma_wait3A_22 = tpu.memref_slice %arg4[%dma_wait3A_20, %dma_wait3A_21] : memref<16384x32xf32, #tpu.memory_space<hbm>> -> memref<16x32xf32, #tpu.memory_space<hbm>>
    tpu.wait_dma2 semaphore(%arg13 : memref<!tpu.dma_semaphore, #tpu.memory_space<semaphore_mem>>) src(%arg9 : memref<16x32xf32, #tpu.memory_space<vmem>>) dst(%dma_wait3A_22 : memref<16x32xf32, #tpu.memory_space<hbm>>)
    %dma_wait3A_23 = arith.constant 0 : i32
    %dma_wait3A_24 = arith.constant 0 : i32
    %dma_wait3A_25 = tpu.memref_slice %arg4[%dma_wait3A_23, %dma_wait3A_24] : memref<16384x32xf32, #tpu.memory_space<hbm>> -> memref<16x32xf32, #tpu.memory_space<hbm>>
    %dma_wait3A_26 = arith.constant 0 : i32
    %dma_wait3A_27 = arith.constant 0 : i32
    %dma_wait3A_28 = tpu.memref_slice %arg4[%dma_wait3A_26, %dma_wait3A_27] : memref<16384x32xf32, #tpu.memory_space<hbm>> -> memref<16x32xf32, #tpu.memory_space<hbm>>
    tpu.wait_dma2 semaphore(%arg14 : memref<!tpu.dma_semaphore, #tpu.memory_space<semaphore_mem>>) src(%arg10 : memref<16x32xf32, #tpu.memory_space<vmem>>) dst(%dma_wait3A_28 : memref<16x32xf32, #tpu.memory_space<hbm>>)
    return
  }
}

</mosaic_0001>

<sc_bundles>
// kernel: _emb_bag.3.cloned.1.call-start
scs
__scs_entry_jumppad:
0x0: {  	(pc) =	sbr.rel $0x88, $3  }
0x1: {  	(tag) =	ssettag $0x0;
	lr =	simm.s32 $0x1  }
0x2: {  	[smem:$0x3F9F] =	sst lr;
	_ =	strace $0xD0000000  }
0x3: {  	_ = 	snop  }
0x4: {  	_ = 	snop  }
0x5: {  	_ = 	snop  }
0x6: {  	_ = 	snop  }
0x7: {  	_ = 	snop  }
__scs_overlays_trampoline_lowered:
0x8: {  	[smem:$0x3FAE] =	sst s0  }
0x9: {  	[smem:$0x3FAF] =	sst s1  }
0xa: {  	[smem:$0x3FB0] =	sst s2  }
0xb: {  	[smem:$0x3FB1] =	sst s3  }
0xc: {  	[smem:$0x3FB2] =	sst s4  }
0xd: {  	[smem:$0x3FB3] =	sst s5  }
0xe: {  	[smem:$0x3FB4] =	sst s6  }
0xf: {  	[smem:$0x3FB5] =	sst s7  }
0x10: {  	[smem:$0x3FB6] =	sst s8  }
0x11: {  	[smem:$0x3FB7] =	sst s9;
	s0 =	simm.s32 @!p0 $0x0  }
0x12: {  	s1 =	sld [smem:$0x3F9D];
	s0 =	simm.s32 @p0 $0x1  }
0x13: {  	[smem:$0x3FB8] =	sst s0;
	s0 =	simm.s32 @!p1 $0x0  }
0x14: {  	s2 =	sld [smem:$0x3F9C];
	s0 =	simm.s32 @p1 $0x1  }
0x15: {  	[smem:$0x3FB9] =	sst s0;
	s0 =	simm.s32 @!p2 $0x0  }
0x16: {  	s3 =	sld [smem:$0x3FDB];
	s0 =	simm.s32 @p2 $0x1  }
0x17: {  	s4 =	simm.s32 $0x1BF5;
	[smem:$0x3FBB] =	sst s0  }
0x18: {  	s0 =	sld [smem:$0x3F9E];
	_ =	swait.ge [sflag:s4], $0x0  }
0x19: {  	s7 =	sld [smem:$0x3F9F]  }
0x1a: {  	s8 =	sadd.s32 $0xFFFFE003, lr  }
0x1b: {  	s9 =	sadd.s32 $0xFFFFFEF7, lr;
	s5 =	simm.s32 $0xFFFFFFFF;
	p2 =	slt.u32 s8, $0xFFFFF086  }
0x1c: {  	p1 =	slt.u32 s9, $0xF7A;
	s5 =	simm.s32 @!p2 $0x0  }
0x1d: {  	s5 =	simm.s32 @p1 $0x1;
	p0 =	seq.s32 s7, s2  }
0x1e: {  	s7 =	smul.u32 @!p0 $0xF7A, s2;
	p2 =	seq.s32 @!p0 s5, $0x0  }
0x1f: {  	s9 =	smul.u32 $0xF7A, s1;
	s8 =	simm.s32 @!p0 $0x1BF5;
	p2 =	por !p2, p0  }
0x20: {  	[sflag:s8] =	ssyncset.s32 @!p0 $0xFFFFF086;
	s6 =	sadd.s32 @!p0 s3, s7;
	s7 =	simm.s32 @!p0 $0x108  }
0x21: {  	s3 =	sadd.s32 s3, s9;
	s6 =	sadd.s32 @!p0 $0x88, s6;
	s7 =	simm.s32 @p2 $0x1082  }
0x22: {  	[simem:s7], [sflag:s8] =	dma.local @!p0 [hbm:s6], $0xF7A  }
0x23: {  	s9 =	sor.u32 $0xD0000000, s2;
	s6 =	simm.s32 $0x108;
	_ =	swait.ge @!p0 [sflag:s8], $0x0  }
0x24: {  	s3 =	sadd.s32 $0x88, s3;
	s6 =	simm.s32 @!p1 $0x1082;
	[sflag:s4] =	ssyncset.s32 $0xFFFFF086  }
0x25: {  	[simem:s6], [sflag:s4] =	dma.local [hbm:s3], $0xF7A  }
0x26: {  	[smem:$0x3F9F] =	sst s1;
	(tag) =	ssettag s2;
	_ =	strace s9  }
0x27: {  	s1 =	sld [smem:$0x3FAF]  }
0x28: {  	s2 =	sld [smem:$0x3FB0]  }
0x29: {  	s4 =	sld [smem:$0x3FB2]  }
0x2a: {  	p0 =	seq.s32 s5, $0x0;
	s5 =	sld [smem:$0x3FB3]  }
0x2b: {  	s6 =	sld [smem:$0x3FB4]  }
0x2c: {  	s7 =	sld [smem:$0x3FB5]  }
0x2d: {  	s3 =	simm.s32 $0x108;
	s8 =	sld [smem:$0x3FB6]  }
0x2e: {  	s3 =	simm.s32 @!p0 $0x1082;
	s9 =	sld [smem:$0x3FB7]  }
0x2f: {  	lr =	sadd.s32 s0, s3;
	s0 =	sld [smem:$0x3FAE]  }
0x30: {  	s3 =	sld [smem:$0x3FB1]  }
0x31: {  	[smem:$0x3FBA] =	sst s10  }
0x32: {  	s10 =	sld [smem:$0x3FB8];
	_ =	sdelay $0x3  }
0x33: {  	p0 =	seq.s32 s10, $0x1;
	s10 =	sld [smem:$0x3FBA];
	_ =	sdelay $0x3  }
0x34: {  	[smem:$0x3FBA] =	sst s10  }
0x35: {  	s10 =	sld [smem:$0x3FB9];
	_ =	sdelay $0x3  }
0x36: {  	p1 =	seq.s32 s10, $0x1;
	s10 =	sld [smem:$0x3FBA];
	_ =	sdelay $0x3  }
0x37: {  	[smem:$0x3FBA] =	sst s10  }
0x38: {  	s10 =	sld [smem:$0x3FBB]  }
0x39: {  	_ = 	snop;
	(pc) =	sbr.ind lr, $3  }
0x3a: {  	_ = 	snop  }
0x3b: {  	_ = 	snop  }
0x3c: {  	p2 =	seq.s32 s10, $0x1;
	s10 =	sld [smem:$0x3FBA]  }
0x3d: {  	_ =	shalt  }
0x3e: {  	_ =	shalt  }
0x3f: {  	_ =	shalt  }
0x40: {  	_ =	shalt  }
0x41: {  	_ =	shalt  }
0x42: {  	_ =	shalt  }
0x43: {  	_ =	shalt  }
0x44: {  	_ =	shalt  }
0x45: {  	_ =	shalt  }
0x46: {  	_ =	shalt  }
0x47: {  	_ =	shalt  }
0x48: {  	_ =	shalt  }
0x49: {  	_ =	shalt  }
0x4a: {  	_ =	shalt  }
0x4b: {  	_ =	shalt  }
0x4c: {  	_ =	shalt  }
0x4d: {  	_ =	shalt  }
0x4e: {  	_ =	shalt  }
0x4f: {  	_ =	shalt  }
0x50: {  	_ =	shalt  }
0x51: {  	_ =	shalt  }
0x52: {  	_ =	shalt  }
0x53: {  	_ =	shalt  }
0x54: {  	_ =	shalt  }
0x55: {  	_ =	shalt  }
0x56: {  	_ =	shalt  }
0x57: {  	_ =	shalt  }
0x58: {  	_ =	shalt  }
0x59: {  	_ =	shalt  }
0x5a: {  	_ =	shalt  }
0x5b: {  	_ =	shalt  }
0x5c: {  	_ =	shalt  }
0x5d: {  	_ =	shalt  }
0x5e: {  	_ =	shalt  }
0x5f: {  	_ =	shalt  }
0x60: {  	_ =	shalt  }
0x61: {  	_ =	shalt  }
0x62: {  	_ =	shalt  }
0x63: {  	_ =	shalt  }
0x64: {  	_ =	shalt  }
0x65: {  	_ =	shalt  }
0x66: {  	_ =	shalt  }
0x67: {  	_ =	shalt  }
0x68: {  	_ =	shalt  }
0x69: {  	_ =	shalt  }
0x6a: {  	_ =	shalt  }
0x6b: {  	_ =	shalt  }
0x6c: {  	_ =	shalt  }
0x6d: {  	_ =	shalt  }
0x6e: {  	_ =	shalt  }
0x6f: {  	_ =	shalt  }
0x70: {  	_ =	shalt  }
0x71: {  	_ =	shalt  }
0x72: {  	_ =	shalt  }
0x73: {  	_ =	shalt  }
0x74: {  	_ =	shalt  }
0x75: {  	_ =	shalt  }
0x76: {  	_ =	shalt  }
0x77: {  	_ =	shalt  }
0x78: {  	_ =	shalt  }
0x79: {  	_ =	shalt  }
0x7a: {  	_ =	shalt  }
0x7b: {  	_ =	shalt  }
0x7c: {  	_ =	shalt  }
0x7d: {  	_ =	shalt  }
0x7e: {  	_ =	shalt  }
0x7f: {  	_ =	shalt  }
0x80: {  	_ =	shalt  }
0x81: {  	_ =	shalt  }
0x82: {  	_ =	shalt  }
0x83: {  	_ =	shalt  }
0x84: {  	_ =	shalt  }
0x85: {  	_ =	shalt  }
0x86: {  	_ =	shalt  }
0x87: {  	_ =	shalt  }
.Lfunc_end0:
.L_simem_size_0:
called_computation_lowered:
.L_overlay_start_0:
0x88: {  	s2 =	sld [smem:$0x3FD9]  }
0x89: {  	s3 =	sld [smem:$0x3FFE];
	_ =	sdelay $0x1  }
0x8a: {  	s1 =	srdreg.scid  }
0x8b: {  	s0 =	sand.u32 $0x1, s1  }
0x8c: {  	s17 =	sshll.u32 s0, $0xA;
	s2 =	sadd.s32 s3, s2  }
0x8d: {  	s2 =	sadd.s32 s2, s17  }
0x8e: {  	[smem:$0x3FC6] =	sst s2  }
0x8f: {  	_ = 	snop  }
0x90: {  	s2 =	sld [smem:$0x3FD0];
	(tm) =	ssettm $0x1  }
0x91: {  	s18 =	sld [smem:$0x3FFB];
	_ =	sdelay $0x3  }
0x92: {  	_ =	strace s18  }
0x93: {  	s3 =	sld [smem:$0x3FFC];
	_ =	sdelay $0x3  }
0x94: {  	_ =	strace s3  }
0x95: {  	s3 =	sld [smem:$0x3FFD];
	_ =	sdelay $0x3  }
0x96: {  	_ =	strace s3  }
0x97: {  	_ =	strace $0x8FFFFFFF  }
0x98: {  	s19 =	sld [smem:$0x3FDB];
	_ =	sdelay $0x1  }
0x99: {  	s4 =	simm.s32 $_scs_section_size  }
0x9a: {  	s5 =	simm.s32 $_size__tile_overlayer_lowered;
	s6 =	simm.s32 $_tile_overlayer_lowered  }
0x9b: {  	s22 =	simm.s32 $0x1BFF;
	s21 =	sshll.u32 s6, $0x1;
	s3 =	sadd.s32 s4, s19  }
0x9c: {  	s7 =	simm.s32 $0x0;
	s20 =	sshll.u32 s5, $0x1;
	s5 =	sadd.s32 s21, s3  }
0x9d: {  	[timem:s7], [sflag:s22] =	dma.local [hbm:s5], s20  }
0x9e: {  	_ =	swait.ge [sflag:s22], s20  }
0x9f: {  	s4 =	ssub.s32 $0x0, s20;
	[sflag:s22] =	ssyncset.done $0x0  }
0xa0: {  	[sflag:s22] =	ssyncadd.s32 s4;
	_ =	sdelay $0x1  }
0xa1: {  	s23 =	simm.s32 $0x1B8B  }
0xa2: {  	_ =	swait.ge [sflag:s23], $0x1  }
0xa3: {  	[sflag:s23] =	ssyncset.done $0x0  }
0xa4: {  	s25 =	simm.s32 $0x1B8E;
	s24 =	sld [smem:$0x3FFE];
	[sflag:s23] =	ssyncadd.s32 $0xFFFFFFFF  }
0xa5: {  	s26 =	simm.s32 $execute0_lowered;
	[smem:$0x3FD2] =	sst s25  }
0xa6: {  	s5 =	sshll.u32 s26, $0x1;
	_ =	strace $0x80000046;
	[dreg:$0x1] =	wrdreg $0xFFFFFFFF  }
0xa7: {  	s28 =	simm.s32 $_size_execute0_lowered;
	s3 =	sadd.s32 s3, s5;
	[dreg:$0x0] =	wrdreg $0x0  }
0xa8: {  	s5 =	sshll.u32 s28, $0x1;
	[dreg:$0x2] =	wrdreg s3  }
0xa9: {  	[dreg:$0x3] =	wrdreg s5  }
0xaa: {  	[dreg:$0x4] =	wrdreg $0xC0  }
0xab: {  	_ =	task [dreg:s7], $0x5FFFF  }
0xac: {  	[dreg:$0x1] =	wrdreg $0xFFFFFFFF  }
0xad: {  	[dreg:$0x0] =	wrdreg $0x60  }
0xae: {  	[dreg:$0x2] =	wrdreg s24  }
0xaf: {  	[dreg:$0x3] =	wrdreg s2  }
0xb0: {  	[dreg:$0x4] =	wrdreg $0x9  }
0xb1: {  	_ =	task.clear_ibuf [dreg:s7], $0x5FFFF;
	_ =	strace $0x90000046  }
0xb2: {  	s29 =	simm.s32 $0x9;
	_ =	strace $0x80000048  }
0xb3: {  	_ =	swait.ge [sflag:s29], $0x1  }
0xb4: {  	[sflag:s29] =	ssyncadd.s32 $0xFFFFFFFF  }
0xb5: {  	_ =	strace $0x90000048  }
0xb6: {  	_ =	sfence  }
0xb7: {  	s30 =	sld [smem:$0x0];
	_ =	sdelay $0x2  }
0xb8: {  	s31 =	sshll.u32 s1, $0xD;
	s1 =	sshrl.u32 s1, $0x2  }
0xb9: {  	s3 =	sand.u32 $0x4000, s31;
	s1 =	sadd.s32 s1, s30  }
0xba: {  	s0 =	sor.u32 s3, s0;
	s1 =	sshll.u32 s1, $0x11  }
0xbb: {  	s0 =	sor.u32 s1, s0  }
0xbc: {  	s0 =	sadd.s32 $0x8F2B, s0  }
0xbd: {  	[sflag:s0] =	ssyncadd.remote.s32 $0x1  }
0xbe: {  	_ =	sfence.sel $0xFFFF  }
0xbf: {  	[dreg:$0x0] =	wrdreg $0xFFFFFFFF;
	(pc) =	sbr.abs _section_cstart, $3  }
0xc0: {  	[dreg:$0x1] =	wrdreg $0xFFFFFFFF  }
0xc1: {  	_ =	task.clear_ibuf [dreg:s7], $0x2FFFF;
	_ =	strace $0x9FFFFFFF  }
0xc2: {  	(tm) =	ssettm $0x7FFFFFFF  }
0xc3: {  	_ =	shalt  }
tec
execute0_lowered:
.L_overlay_start_1:
0x0: {  	(tag) =	ssettag $0x1  }
0x1: {  	s0 =	rddreg [dreg:$0x0]  }
0x2: {  	s1 =	srdreg.scid;
	s2 =	stileid.u32  }
0x3: {  	s7 =	rddreg [dreg:$0x1];
	s11 =	simm.s32 $0x5;
	s12 =	simm.s32 $0x320  }
0x4: {  	s14 =	simm.s32 $0x6A40;
	s15 =	simm.s32 $0x1;
	s16 =	simm.s32 $0xCE40  }
0x5: {  	s17 =	simm.s32 $0x2;
	s18 =	simm.s32 $0xD040;
	s19 =	simm.s32 $0x3  }
0x6: {  	s20 =	simm.s32 $0x4;
	s1 =	sand.u32 $0x1, s1;
	s3 =	sshll.u32 s2, $0x1  }
0x7: {  	s21 =	simm.s32 $0x0;
	s2 =	simm.s32 $0x0;
	s6 =	sor.u32 s1, s3  }
0x8: {  	s4 =	sadd.s32 $0x3D09600, s0;
	[smem:$0x7FF] =	sst s2;
	s5 =	smul.u32 $0xC80, s6  }
.Ltmp0:
0x9: {  	s1 =	ssub.s32 $0x2, s1;
	s3 =	sadd.s32 $0x600, s0;
	(pc) =	sbr.rel .LBB2_1-.Ltmp0, $4  }
0xa: {  	_ =	strace $0x80000047;
	s8 =	sshrl.u32 s1, $0x1;
	s29 =	sshll.u32 s6, $0x5  }
0xb: {  	s30 =	sshll.u32 s6, $0xB;
	s28 =	ssub.s32 s1, s8;
	s5 =	sadd.s32 s3, s5  }
0xc: {  	s7 =	sadd.s32 s7, s30;
	s8 =	sor.u32 $0x2, s29;
	s31 =	sadd.s32 $0x64, s5  }
0xd: {  	vm0 =	vcmask $0x3F38;
	s9 =	sor.u32 $0x3, s29;
	s10 =	smax.u32 s28, $0x1;
	[dreg:$0x3] =	wrdreg s31  }
.LBB2_8:
0xe: {  	s21 =	sadd.s32 $0x1, s21  }
0xf: {  	_ =	swait.ge [sflag:s19], $0x200;
	p0 =	sne.s32 s21, s10  }
.Ltmp1:
0x10: {  	[sflag:s19] =	ssyncset.done $0x0;
	(pc) =	sbr.rel @!p0 .LBB2_9-.Ltmp1, $4  }
0x11: {  	[sflag:s19] =	ssyncadd.s32 $0xFFFFFE00  }
0x12: {  	_ =	swait.ge [sflag:s20], $0x200  }
0x13: {  	[sflag:s20] =	ssyncset.done $0x0  }
0x14: {  	[sflag:s20] =	ssyncadd.s32 $0xFFFFFE00  }
.LBB2_1:
0x15: {  	[tilespmem:s2], [sflag:$0x5] =	stream.linear.gather [hbm4b:s5+s2], $0x320, $0x38;
	[tilespmem:$0xD240] =	vst v63  }
0x16: {  	_ =	swait.ge [sflag:s11], $0x320  }
0x17: {  	[sflag:s11] =	ssyncset.done $0x0  }
0x18: {  	s0 =	simm.s32 $0x640;
	[sflag:s11] =	ssyncadd.s32 $0xFFFFFCE0  }
0x19: {  	[tilespmem:s0], [sflag:$0x1] =	stream.indirect.gather [hbm4b:s4+s12], $0x20, s2, s12, $0xb8;
	[tilespmem:$0xD240] =	vst v63  }
0x1a: {  	s31 =	rddreg [dreg:$0x3]  }
0x1b: {  	[tilespmem:s12], [sflag:$0x5] =	stream.linear.gather [hbm4b:s31+s2], $0x320, $0x38;
	[tilespmem:$0xD240] =	vst v63  }
0x1c: {  	_ =	swait.ge [sflag:s11], $0x320  }
0x1d: {  	[sflag:s11] =	ssyncset.done $0x0  }
0x1e: {  	s22 =	simm.s32 $0x0;
	[sflag:s11] =	ssyncadd.s32 $0xFFFFFCE0  }
0x1f: {  	[tilespmem:s14], [sflag:$0x2] =	stream.indirect.gather [hbm4b:s4+s12], $0x20, s12, s12, $0xb8;
	[tilespmem:$0xD240] =	vst v63  }
.LBB2_2:
0x20: {  	_ =	swait.ge [sflag:s15], $0x6400  }
0x21: {  	p0 =	seq.s32 s22, $0x0;
	[sflag:s15] =	ssyncset.done $0x0  }
0x22: {  	s0 =	simm.s32 @!p0 $0x3;
	[sflag:s15] =	ssyncadd.s32 $0xFFFF9C00  }
0x23: {  	_ =	swait.ge @!p0 [sflag:s0], $0x200  }
0x24: {  	[sflag:s0] =	ssyncset.done @!p0 $0x0  }
0x25: {  	s28 =	simm.s32 $0x960;
	[sflag:s0] =	ssyncadd.s32 @!p0 $0xFFFFFE00  }
0x26: {  	v3 =	vld [tilespmem:s28+$0xFFFFFD50]  }
0x27: {  	v2 =	vld [tilespmem:s28+$0xFFFFFCE0]  }
0x28: {  	v4 =	vld [tilespmem:s28+$0xFFFFFD40]  }
0x29: {  	v5 =	vld [tilespmem:s28+$0xFFFFFD30]  }
0x2a: {  	v6 =	vld [tilespmem:s28+$0xFFFFFD20]  }
0x2b: {  	v7 =	vld [tilespmem:s28+$0xFFFFFD10]  }
0x2c: {  	v8 =	vld [tilespmem:s28+$0xFFFFFCF0]  }
0x2d: {  	v9 =	vld [tilespmem:s28+$0xFFFFFD00]  }
0x2e: {  	v1 =	vld [tilespmem:s28+$0x180]  }
0x2f: {  	s26 =	simm.s32 $0x0;
	s1 =	simm.s32 $0x10;
	v0 =	vld [tilespmem:s28+$0x1F0]  }
0x30: {  	s23 =	simm.s32 $0x20;
	s1 =	sand.u32 $0x7F8, s1;
	s0 =	sand.u32 $0x6, s26;
	v12 =	vld [tilespmem:s28+$0xFFFFFD60];
	v2 =	vadd.f32 $0.0e+00, v2  }
0x31: {  	s23 =	sand.u32 $0x7F8, s23;
	s1 =	sor.u32 s0, s1;
	v63 =	vld [tilespmem:s28+$0xFFFFFE90];
	v8 =	vadd.f32 $0.0e+00, v8  }
0x32: {  	s0 =	sor.u32 s0, s23;
	v10 =	vld [tilespmem:s1+$0x0];
	v9 =	vadd.f32 v9, v2  }
0x33: {  	v11 =	vld [tilespmem:s0+$0x0];
	v7 =	vadd.f32 v7, v8  }
0x34: {  	v8 =	vld [tilespmem:s28+$0xFFFFFD70];
	v6 =	vadd.f32 v6, v9  }
0x35: {  	v5 =	vadd.f32 v5, v7;
	v7 =	vld [tilespmem:s28+$0xFFFFFD80]  }
0x36: {  	v4 =	vadd.f32 v4, v6;
	v6 =	vld [tilespmem:s28+$0xFFFFFD90]  }
0x37: {  	v3 =	vadd.f32 v3, v5;
	v5 =	vld [tilespmem:s28+$0xFFFFFDA0]  }
0x38: {  	v9 =	vld [tilespmem:s28+$0xFFFFFDB0];
	v4 =	vadd.f32 v12, v4  }
0x39: {  	v3 =	vadd.f32 v8, v3;
	v8 =	vld [tilespmem:s28+$0xFFFFFDC0]  }
0x3a: {  	v4 =	vadd.f32 v7, v4;
	v7 =	vld [tilespmem:s28+$0xFFFFFDD0]  }
0x3b: {  	v3 =	vadd.f32 v6, v3;
	v6 =	vld [tilespmem:s28+$0xFFFFFDE0]  }
0x3c: {  	v4 =	vadd.f32 v5, v4;
	v5 =	vld [tilespmem:s28+$0xFFFFFDF0]  }
0x3d: {  	v3 =	vadd.f32 v9, v3;
	v9 =	vld [tilespmem:s28+$0xFFFFFE00]  }
0x3e: {  	v4 =	vadd.f32 v8, v4;
	v8 =	vld [tilespmem:s28+$0xFFFFFE10]  }
0x3f: {  	v3 =	vadd.f32 v7, v3;
	v7 =	vld [tilespmem:s28+$0xFFFFFE20]  }
0x40: {  	v4 =	vadd.f32 v6, v4;
	v6 =	vld [tilespmem:s28+$0xFFFFFE30]  }
0x41: {  	v3 =	vadd.f32 v5, v3;
	v5 =	vld [tilespmem:s28+$0xFFFFFE40]  }
0x42: {  	v4 =	vadd.f32 v9, v4;
	v9 =	vld [tilespmem:s28+$0xFFFFFE50]  }
0x43: {  	v3 =	vadd.f32 v8, v3;
	v8 =	vld [tilespmem:s28+$0xFFFFFE60]  }
0x44: {  	v4 =	vadd.f32 v7, v4;
	v7 =	vld [tilespmem:s28+$0xFFFFFE70]  }
0x45: {  	v3 =	vadd.f32 v6, v3;
	v6 =	vld [tilespmem:s28+$0xFFFFFE80]  }
0x46: {  	v2 =	vld [tilespmem:s28+$0xFFFFFF20];
	v4 =	vadd.f32 v5, v4  }
0x47: {  	v3 =	vadd.f32 v9, v3;
	v9 =	vld [tilespmem:s28+$0xFFFFFEA0]  }
0x48: {  	v4 =	vadd.f32 v8, v4;
	v8 =	vld [tilespmem:s28+$0xFFFFFEB0]  }
0x49: {  	v3 =	vadd.f32 v7, v3;
	v7 =	vld [tilespmem:s28+$0xFFFFFEC0]  }
0x4a: {  	v5 =	vld [tilespmem:s28+$0xFFFFFED0];
	v6 =	vadd.f32 v6, v4  }
0x4b: {  	v4 =	vld [tilespmem:s28+$0xFFFFFEE0];
	v12 =	vadd.f32 v63, v3  }
0x4c: {  	s29 =	simm.s32 $0xCE50;
	v3 =	vld [tilespmem:s28+$0xFFFFFEF0];
	v9 =	vadd.f32 v9, v6  }
0x4d: {  	s30 =	simm.s32 $0x22;
	s31 =	simm.s32 $0x52;
	s25 =	simm.s32 $0x960;
	v6 =	vld [tilespmem:s28+$0xFFFFFF00];
	v8 =	vadd.f32 v8, v12  }
0x4e: {  	s24 =	simm.s32 $0xCE50;
	s26 =	simm.s32 $0x22;
	s23 =	sshll.u32 s22, $0x1;
	vm2 =	vne.s32 v10, $0x0;
	vm1 =	vne.s32 v11, $0x0;
	v9 =	vadd.f32 v7, v9;
	v7 =	vld [tilespmem:s28+$0xFFFFFF10]  }
.LBB2_3:
0x4f: {  	v5 =	vadd.f32 v5, v8;
	s29 =	sadd.s32 $0x20, s29;
	s28 =	sadd.s32 $0x640, s28;
	s30 =	sadd.s32 $0x32, s30  }
0x50: {  	p1 =	sne.s32 s31, $0x30E;
	s1 =	smov.u32 s31;
	s31 =	sadd.s32 $0x32, s31;
	v4 =	vadd.f32 v4, v9;
	v8 =	vld [tilespmem:s25+$0xFFFFFF30]  }
0x51: {  	v3 =	vadd.f32 v3, v5;
	v5 =	vld [tilespmem:s25+$0xFFFFFF40]  }
0x52: {  	v4 =	vadd.f32 v6, v4;
	v6 =	vld [tilespmem:s25+$0xFFFFFF50]  }
0x53: {  	v3 =	vadd.f32 v7, v3;
	v7 =	vld [tilespmem:s25+$0xFFFFFF60]  }
0x54: {  	v2 =	vadd.f32 v2, v4;
	v4 =	vld [tilespmem:s25+$0xFFFFFF70]  }
0x55: {  	v3 =	vadd.f32 v8, v3;
	v8 =	vld [tilespmem:s25+$0xFFFFFF80]  }
0x56: {  	v2 =	vadd.f32 v5, v2;
	v5 =	vld [tilespmem:s25+$0xFFFFFF90]  }
0x57: {  	v3 =	vadd.f32 v6, v3;
	v6 =	vld [tilespmem:s25+$0xFFFFFFA0]  }
0x58: {  	v2 =	vadd.f32 v7, v2;
	v7 =	vld [tilespmem:s25+$0xFFFFFFB0]  }
0x59: {  	v3 =	vadd.f32 v4, v3;
	v4 =	vld [tilespmem:s25+$0xFFFFFFC0]  }
0x5a: {  	v2 =	vadd.f32 v8, v2;
	v8 =	vld [tilespmem:s25+$0xFFFFFFD0]  }
0x5b: {  	v3 =	vadd.f32 v5, v3;
	v5 =	vld [tilespmem:s25+$0xFFFFFFE0]  }
0x5c: {  	v2 =	vadd.f32 v6, v2;
	v6 =	vld [tilespmem:s25+$0xFFFFFFF0]  }
0x5d: {  	v3 =	vadd.f32 v7, v3;
	v7 =	vld [tilespmem:s25+$0x0]  }
0x5e: {  	v2 =	vadd.f32 v4, v2;
	v4 =	vld [tilespmem:s25+$0x10]  }
0x5f: {  	v3 =	vadd.f32 v8, v3;
	v8 =	vld [tilespmem:s25+$0x20]  }
0x60: {  	v2 =	vadd.f32 v5, v2;
	v5 =	vld [tilespmem:s25+$0x30]  }
0x61: {  	v3 =	vadd.f32 v6, v3;
	v6 =	vld [tilespmem:s25+$0x40]  }
0x62: {  	v2 =	vadd.f32 v7, v2;
	v7 =	vld [tilespmem:s25+$0x50]  }
0x63: {  	v3 =	vadd.f32 v4, v3;
	v4 =	vld [tilespmem:s25+$0x60]  }
0x64: {  	v2 =	vadd.f32 v8, v2;
	v8 =	vld [tilespmem:s25+$0x70]  }
0x65: {  	v3 =	vadd.f32 v5, v3;
	v5 =	vld [tilespmem:s25+$0x80]  }
0x66: {  	v2 =	vadd.f32 v6, v2;
	v6 =	vld [tilespmem:s25+$0x90]  }
0x67: {  	v3 =	vadd.f32 v7, v3;
	v7 =	vld [tilespmem:s25+$0xA0]  }
0x68: {  	v2 =	vadd.f32 v4, v2;
	v4 =	vld [tilespmem:s25+$0xB0]  }
0x69: {  	v3 =	vadd.f32 v8, v3;
	v8 =	vld [tilespmem:s25+$0xC0]  }
0x6a: {  	v2 =	vadd.f32 v5, v2;
	v5 =	vld [tilespmem:s25+$0xD0]  }
0x6b: {  	v3 =	vadd.f32 v6, v3;
	v6 =	vld [tilespmem:s25+$0xE0]  }
0x6c: {  	v2 =	vadd.f32 v7, v2;
	v7 =	vld [tilespmem:s25+$0xF0]  }
0x6d: {  	v3 =	vadd.f32 v4, v3;
	v4 =	vld [tilespmem:s25+$0x100]  }
0x6e: {  	v2 =	vadd.f32 v8, v2;
	v8 =	vld [tilespmem:s25+$0x110]  }
0x6f: {  	v3 =	vadd.f32 v5, v3;
	v5 =	vld [tilespmem:s25+$0x120]  }
0x70: {  	v2 =	vadd.f32 v6, v2;
	v6 =	vld [tilespmem:s25+$0x130]  }
0x71: {  	v3 =	vadd.f32 v7, v3;
	v7 =	vld [tilespmem:s25+$0x140]  }
0x72: {  	v2 =	vadd.f32 v4, v2;
	v4 =	vld [tilespmem:s25+$0x150]  }
0x73: {  	v3 =	vadd.f32 v8, v3;
	v8 =	vld [tilespmem:s25+$0x160]  }
0x74: {  	v2 =	vadd.f32 v5, v2;
	v5 =	vld [tilespmem:s25+$0x170]  }
0x75: {  	v3 =	vadd.f32 v6, v3;
	v6 =	vld [tilespmem:s26+$0x0]  }
0x76: {  	v2 =	vadd.f32 v7, v2;
	v7 =	vld [tilespmem:s25+$0x190]  }
0x77: {  	v3 =	vadd.f32 v4, v3;
	v4 =	vld [tilespmem:s25+$0x1A0]  }
0x78: {  	v2 =	vadd.f32 v8, v2;
	v8 =	vld [tilespmem:s25+$0x1B0]  }
0x79: {  	v3 =	vadd.f32 v5, v3;
	v5 =	vld [tilespmem:s25+$0x1C0]  }
0x7a: {  	v1 =	vadd.f32 v1, v2;
	v2 =	vld [tilespmem:s25+$0x1D0];
	vm3 =	vne.s32 v6, $0x0  }
0x7b: {  	v3 =	vadd.f32 v7, v3;
	v6 =	vld [tilespmem:s25+$0x1E0];
	vm3 =	vmand vm3, vm0  }
0x7c: {  	v1 =	vadd.f32 v4, v1;
	v4 =	vld [tilespmem:s26+$0xFFFFFFDE];
	s26 =	smov.u32 s30  }
0x7d: {  	v3 =	vadd.f32 v8, v3;
	v7 =	vld [tilespmem:s25+$0x200]  }
0x7e: {  	v1 =	vadd.f32 v5, v1;
	v5 =	vld [tilespmem:s25+$0x210]  }
0x7f: {  	v2 =	vadd.f32 v2, v3;
	v3 =	vld [tilespmem:s25+$0x220]  }
0x80: {  	v1 =	vadd.f32 v6, v1;
	v6 =	vld [tilespmem:s25+$0x230]  }
0x81: {  	v0 =	vadd.f32 v0, v2;
	v2 =	vld [tilespmem:s25+$0x240];
	vm4 =	vne.s32 v4, $0x0  }
0x82: {  	v8 =	vmpcnt.ones.xlane vm2;
	v1 =	vadd.f32 v7, v1;
	v4 =	vld [tilespmem:s25+$0x250];
	v7 =	vmpcnt.ones.xlane vm4  }
0x83: {  	v9 =	vmpcnt.ones.xlane vm1;
	v0 =	vadd.f32 v5, v0;
	v5 =	vld [tilespmem:s25+$0x260]  }
0x84: {  	v1 =	vadd.f32 v3, v1;
	v3 =	vld [tilespmem:s25+$0x270];
	v7 =	vadd.s32 v7, v8;
	v8 =	vmpcnt.ones.xlane vm3  }
0x85: {  	v0 =	vadd.f32 v6, v0;
	v6 =	vld [tilespmem:s25+$0x280];
	v7 =	vadd.s32 v9, v7  }
0x86: {  	v1 =	vadd.f32 v2, v1;
	v2 =	vld [tilespmem:s25+$0x290];
	v7 =	vadd.s32 v8, v7  }
0x87: {  	v0 =	vadd.f32 v4, v0;
	v4 =	vld [tilespmem:s25+$0x2A0];
	v7 =	vcvt.s32.f32 v7  }
0x88: {  	v1 =	vadd.f32 v5, v1;
	v5 =	vld [tilespmem:s25+$0x2B0]  }
0x89: {  	v0 =	vadd.f32 v3, v0;
	v3 =	vld [tilespmem:s25+$0x2C0];
	v7 =	vmax.f32 v7, $1.000000000e+00  }
0x8a: {  	v1 =	vadd.f32 v6, v1;
	v6 =	vld [tilespmem:s25+$0x2D0];
	(erf) = vrcp.f32 v7  }
0x8b: {  	v0 =	vadd.f32 v2, v0;
	v2 =	vld [tilespmem:s25+$0x2E0]  }
0x8c: {  	v1 =	vadd.f32 v4, v1;
	v4 =	vld [tilespmem:s25+$0x2F0]  }
0x8d: {  	v0 =	vadd.f32 v5, v0;
	v5 =	vld [tilespmem:s25+$0x300]  }
0x8e: {  	v1 =	vadd.f32 v3, v1;
	v3 =	vld [tilespmem:s25+$0x310];
	s25 =	smov.u32 s28  }
0x8f: {  	v0 =	vadd.f32 v6, v0  }
0x90: {  	v1 =	vadd.f32 v2, v1  }
0x91: {  	v0 =	vadd.f32 v4, v0  }
0x92: {  	v1 =	vadd.f32 v5, v1  }
0x93: {  	v0 =	vadd.f32 v3, v0;
	v2 =	vpop (erf)  }
0x94: {  	v1 =	vmul.f32 v2, v1  }
0x95: {  	v0 =	vmul.f32 v2, v0  }
0x96: {  	[tilespmem:s24+$0xFFFFFFF0] =	vst v1  }
0x97: {  	[tilespmem:s24+$0x0] =	vst v0;
	s24 =	smov.u32 s29  }
0x98: {  	v3 =	vld [tilespmem:s28+$0xFFFFFD50]  }
0x99: {  	v0 =	vld [tilespmem:s28+$0xFFFFFCE0]  }
0x9a: {  	v4 =	vld [tilespmem:s28+$0xFFFFFD40]  }
0x9b: {  	v5 =	vld [tilespmem:s28+$0xFFFFFD30]  }
0x9c: {  	v6 =	vld [tilespmem:s28+$0xFFFFFD20]  }
0x9d: {  	v2 =	vld [tilespmem:s28+$0xFFFFFD10]  }
0x9e: {  	v7 =	vadd.f32 $0.0e+00, v0;
	v8 =	vld [tilespmem:s28+$0xFFFFFCF0]  }
0x9f: {  	s0 =	sadd.s32 $0xFFFFFFE0, s1;
	s13 =	sadd.s32 $0xFFFFFFF0, s1;
	v9 =	vld [tilespmem:s28+$0xFFFFFD00]  }
0xa0: {  	s13 =	sand.u32 $0x7F8, s13;
	s0 =	sand.u32 $0x6, s0;
	v1 =	vld [tilespmem:s28+$0x180]  }
0xa1: {  	s1 =	sand.u32 $0x7F8, s1;
	s13 =	sor.u32 s0, s13;
	v0 =	vld [tilespmem:s28+$0x1F0]  }
0xa2: {  	s0 =	sor.u32 s0, s1;
	v10 =	vld [tilespmem:s13+$0x0]  }
0xa3: {  	v8 =	vadd.f32 $0.0e+00, v8;
	v11 =	vld [tilespmem:s0+$0x0]  }
0xa4: {  	v7 =	vadd.f32 v9, v7;
	v9 =	vld [tilespmem:s28+$0xFFFFFD60]  }
0xa5: {  	v8 =	vadd.f32 v2, v8;
	v2 =	vld [tilespmem:s28+$0xFFFFFF20]  }
0xa6: {  	v6 =	vadd.f32 v6, v7;
	v7 =	vld [tilespmem:s28+$0xFFFFFD70]  }
0xa7: {  	v5 =	vadd.f32 v5, v8;
	v8 =	vld [tilespmem:s28+$0xFFFFFD80];
	vm2 =	vne.s32 v10, $0x0  }
0xa8: {  	v4 =	vadd.f32 v4, v6;
	v6 =	vld [tilespmem:s28+$0xFFFFFD90];
	vm1 =	vne.s32 v11, $0x0  }
0xa9: {  	v3 =	vadd.f32 v3, v5;
	v5 =	vld [tilespmem:s28+$0xFFFFFDA0]  }
0xaa: {  	v4 =	vadd.f32 v9, v4;
	v9 =	vld [tilespmem:s28+$0xFFFFFDB0]  }
0xab: {  	v3 =	vadd.f32 v7, v3;
	v7 =	vld [tilespmem:s28+$0xFFFFFDC0]  }
0xac: {  	v4 =	vadd.f32 v8, v4;
	v8 =	vld [tilespmem:s28+$0xFFFFFDD0]  }
0xad: {  	v3 =	vadd.f32 v6, v3;
	v6 =	vld [tilespmem:s28+$0xFFFFFDE0]  }
0xae: {  	v4 =	vadd.f32 v5, v4;
	v5 =	vld [tilespmem:s28+$0xFFFFFDF0]  }
0xaf: {  	v3 =	vadd.f32 v9, v3;
	v9 =	vld [tilespmem:s28+$0xFFFFFE00]  }
0xb0: {  	v4 =	vadd.f32 v7, v4;
	v7 =	vld [tilespmem:s28+$0xFFFFFE10]  }
0xb1: {  	v3 =	vadd.f32 v8, v3;
	v8 =	vld [tilespmem:s28+$0xFFFFFE20]  }
0xb2: {  	v4 =	vadd.f32 v6, v4;
	v6 =	vld [tilespmem:s28+$0xFFFFFE30]  }
0xb3: {  	v3 =	vadd.f32 v5, v3;
	v5 =	vld [tilespmem:s28+$0xFFFFFE40]  }
0xb4: {  	v4 =	vadd.f32 v9, v4;
	v9 =	vld [tilespmem:s28+$0xFFFFFE50]  }
0xb5: {  	v3 =	vadd.f32 v7, v3;
	v7 =	vld [tilespmem:s28+$0xFFFFFE60]  }
0xb6: {  	v4 =	vadd.f32 v8, v4;
	v8 =	vld [tilespmem:s28+$0xFFFFFE70]  }
0xb7: {  	v3 =	vadd.f32 v6, v3;
	v6 =	vld [tilespmem:s28+$0xFFFFFE80]  }
0xb8: {  	v4 =	vadd.f32 v5, v4;
	v10 =	vld [tilespmem:s28+$0xFFFFFE90]  }
0xb9: {  	v3 =	vadd.f32 v9, v3;
	v9 =	vld [tilespmem:s28+$0xFFFFFEA0]  }
0xba: {  	v4 =	vadd.f32 v7, v4;
	v7 =	vld [tilespmem:s28+$0xFFFFFEB0]  }
0xbb: {  	v3 =	vadd.f32 v8, v3;
	v11 =	vld [tilespmem:s28+$0xFFFFFEC0]  }
.Ltmp2:
0xbc: {  	v6 =	vadd.f32 v6, v4;
	v5 =	vld [tilespmem:s28+$0xFFFFFED0];
	(pc) =	sbr.rel @p1 .LBB2_3-.Ltmp2, $4  }
0xbd: {  	v8 =	vadd.f32 v10, v3;
	v4 =	vld [tilespmem:s28+$0xFFFFFEE0]  }
0xbe: {  	v9 =	vadd.f32 v9, v6;
	v3 =	vld [tilespmem:s28+$0xFFFFFEF0]  }
0xbf: {  	v8 =	vadd.f32 v7, v8;
	v6 =	vld [tilespmem:s28+$0xFFFFFF00]  }
0xc0: {  	v9 =	vadd.f32 v11, v9;
	v7 =	vld [tilespmem:s28+$0xFFFFFF10]  }
0xc1: {  	v5 =	vadd.f32 v5, v8  }
0xc2: {  	v8 =	vld [tilespmem:s25+$0xFFFFFF30];
	v4 =	vadd.f32 v4, v9  }
0xc3: {  	v3 =	vadd.f32 v3, v5;
	v5 =	vld [tilespmem:s25+$0xFFFFFF40]  }
0xc4: {  	v4 =	vadd.f32 v6, v4;
	v6 =	vld [tilespmem:s25+$0xFFFFFF50]  }
0xc5: {  	v3 =	vadd.f32 v7, v3;
	v7 =	vld [tilespmem:s25+$0xFFFFFF60]  }
0xc6: {  	v2 =	vadd.f32 v2, v4;
	v4 =	vld [tilespmem:s25+$0xFFFFFF70]  }
0xc7: {  	v3 =	vadd.f32 v8, v3;
	v8 =	vld [tilespmem:s25+$0xFFFFFF80]  }
0xc8: {  	v2 =	vadd.f32 v5, v2;
	v5 =	vld [tilespmem:s25+$0xFFFFFF90]  }
0xc9: {  	v3 =	vadd.f32 v6, v3;
	v6 =	vld [tilespmem:s25+$0xFFFFFFA0]  }
0xca: {  	v2 =	vadd.f32 v7, v2;
	v7 =	vld [tilespmem:s25+$0xFFFFFFB0]  }
0xcb: {  	v3 =	vadd.f32 v4, v3;
	v4 =	vld [tilespmem:s25+$0xFFFFFFC0]  }
0xcc: {  	v2 =	vadd.f32 v8, v2;
	v8 =	vld [tilespmem:s25+$0xFFFFFFD0]  }
0xcd: {  	v3 =	vadd.f32 v5, v3;
	v5 =	vld [tilespmem:s25+$0xFFFFFFE0]  }
0xce: {  	v2 =	vadd.f32 v6, v2;
	v6 =	vld [tilespmem:s25+$0xFFFFFFF0]  }
0xcf: {  	v3 =	vadd.f32 v7, v3;
	v7 =	vld [tilespmem:s25+$0x0]  }
0xd0: {  	v2 =	vadd.f32 v4, v2;
	v4 =	vld [tilespmem:s25+$0x10]  }
0xd1: {  	v3 =	vadd.f32 v8, v3;
	v8 =	vld [tilespmem:s25+$0x20]  }
0xd2: {  	v2 =	vadd.f32 v5, v2;
	v5 =	vld [tilespmem:s25+$0x30]  }
0xd3: {  	v3 =	vadd.f32 v6, v3;
	v6 =	vld [tilespmem:s25+$0x40]  }
0xd4: {  	v2 =	vadd.f32 v7, v2;
	v7 =	vld [tilespmem:s25+$0x50]  }
0xd5: {  	v3 =	vadd.f32 v4, v3;
	v4 =	vld [tilespmem:s25+$0x60]  }
0xd6: {  	v2 =	vadd.f32 v8, v2;
	v8 =	vld [tilespmem:s25+$0x70]  }
0xd7: {  	v3 =	vadd.f32 v5, v3;
	v5 =	vld [tilespmem:s25+$0x80]  }
0xd8: {  	v2 =	vadd.f32 v6, v2;
	v6 =	vld [tilespmem:s25+$0x90]  }
0xd9: {  	v3 =	vadd.f32 v7, v3;
	v7 =	vld [tilespmem:s25+$0xA0]  }
0xda: {  	v2 =	vadd.f32 v4, v2;
	v4 =	vld [tilespmem:s25+$0xB0]  }
0xdb: {  	v3 =	vadd.f32 v8, v3;
	v8 =	vld [tilespmem:s25+$0xC0]  }
0xdc: {  	v2 =	vadd.f32 v5, v2;
	v5 =	vld [tilespmem:s25+$0xD0]  }
0xdd: {  	v3 =	vadd.f32 v6, v3;
	v6 =	vld [tilespmem:s25+$0xE0]  }
0xde: {  	v2 =	vadd.f32 v7, v2;
	v7 =	vld [tilespmem:s25+$0xF0]  }
0xdf: {  	v3 =	vadd.f32 v4, v3;
	v4 =	vld [tilespmem:s25+$0x100]  }
0xe0: {  	v2 =	vadd.f32 v8, v2;
	v8 =	vld [tilespmem:s25+$0x110]  }
0xe1: {  	v3 =	vadd.f32 v5, v3;
	v5 =	vld [tilespmem:s25+$0x120]  }
0xe2: {  	v2 =	vadd.f32 v6, v2;
	v6 =	vld [tilespmem:s25+$0x130]  }
0xe3: {  	v3 =	vadd.f32 v7, v3;
	v7 =	vld [tilespmem:s25+$0x140]  }
0xe4: {  	v2 =	vadd.f32 v4, v2;
	v4 =	vld [tilespmem:s25+$0x150]  }
0xe5: {  	v3 =	vadd.f32 v8, v3;
	v8 =	vld [tilespmem:s25+$0x160]  }
0xe6: {  	v2 =	vadd.f32 v5, v2;
	v5 =	vld [tilespmem:s25+$0x170]  }
0xe7: {  	v3 =	vadd.f32 v6, v3;
	v6 =	vld [tilespmem:s26+$0x0]  }
0xe8: {  	v2 =	vadd.f32 v7, v2;
	v7 =	vld [tilespmem:s25+$0x190]  }
0xe9: {  	v3 =	vadd.f32 v4, v3;
	v4 =	vld [tilespmem:s25+$0x1A0]  }
0xea: {  	v2 =	vadd.f32 v8, v2;
	v8 =	vld [tilespmem:s25+$0x1B0]  }
0xeb: {  	v3 =	vadd.f32 v5, v3;
	v5 =	vld [tilespmem:s25+$0x1C0]  }
0xec: {  	v1 =	vadd.f32 v1, v2;
	v2 =	vld [tilespmem:s25+$0x1D0]  }
0xed: {  	v3 =	vadd.f32 v7, v3;
	v7 =	vld [tilespmem:s25+$0x1E0]  }
0xee: {  	v1 =	vadd.f32 v4, v1;
	v4 =	vld [tilespmem:s26+$0xFFFFFFDE]  }
0xef: {  	v3 =	vadd.f32 v8, v3;
	v8 =	vld [tilespmem:s25+$0x200]  }
0xf0: {  	v1 =	vadd.f32 v5, v1;
	v5 =	vld [tilespmem:s25+$0x210]  }
0xf1: {  	v2 =	vadd.f32 v2, v3;
	v3 =	vld [tilespmem:s25+$0x220]  }
0xf2: {  	v1 =	vadd.f32 v7, v1;
	v7 =	vld [tilespmem:s25+$0x230]  }
0xf3: {  	vm3 =	vne.s32 v6, $0x0;
	v0 =	vadd.f32 v0, v2;
	v2 =	vld [tilespmem:s25+$0x240];
	vm4 =	vne.s32 v4, $0x0  }
0xf4: {  	v4 =	vld [tilespmem:s25+$0x250];
	v1 =	vadd.f32 v8, v1;
	v6 =	vmpcnt.ones.xlane vm4;
	v8 =	vmpcnt.ones.xlane vm2  }
0xf5: {  	v9 =	vmpcnt.ones.xlane vm1;
	vm2 =	vmand vm3, vm0;
	v0 =	vadd.f32 v5, v0;
	v5 =	vld [tilespmem:s25+$0x260]  }
0xf6: {  	v1 =	vadd.f32 v3, v1;
	v3 =	vld [tilespmem:s25+$0x270];
	v6 =	vadd.s32 v6, v8;
	v8 =	vmpcnt.ones.xlane vm2  }
0xf7: {  	v0 =	vadd.f32 v7, v0;
	v7 =	vld [tilespmem:s25+$0x280];
	v6 =	vadd.s32 v9, v6  }
0xf8: {  	v1 =	vadd.f32 v2, v1;
	v2 =	vld [tilespmem:s25+$0x290];
	v6 =	vadd.s32 v8, v6  }
0xf9: {  	v0 =	vadd.f32 v4, v0;
	v4 =	vld [tilespmem:s25+$0x2A0];
	v6 =	vcvt.s32.f32 v6  }
0xfa: {  	v1 =	vadd.f32 v5, v1;
	v5 =	vld [tilespmem:s25+$0x2B0]  }
0xfb: {  	v0 =	vadd.f32 v3, v0;
	v3 =	vld [tilespmem:s25+$0x2C0];
	v6 =	vmax.f32 v6, $1.000000000e+00  }
0xfc: {  	v1 =	vadd.f32 v7, v1;
	v7 =	vld [tilespmem:s25+$0x2D0];
	(erf) = vrcp.f32 v6  }
0xfd: {  	v0 =	vadd.f32 v2, v0;
	v2 =	vld [tilespmem:s25+$0x2E0]  }
0xfe: {  	v1 =	vadd.f32 v4, v1;
	v4 =	vld [tilespmem:s25+$0x2F0]  }
0xff: {  	v0 =	vadd.f32 v5, v0;
	v5 =	vld [tilespmem:s25+$0x300]  }
0x100: {  	v1 =	vadd.f32 v3, v1;
	v3 =	vld [tilespmem:s25+$0x310]  }
0x101: {  	v0 =	vadd.f32 v7, v0  }
0x102: {  	v1 =	vadd.f32 v2, v1  }
0x103: {  	v0 =	vadd.f32 v4, v0  }
0x104: {  	v1 =	vadd.f32 v5, v1  }
0x105: {  	v0 =	vadd.f32 v3, v0;
	v2 =	vpop (erf)  }
0x106: {  	v1 =	vmul.f32 v2, v1  }
0x107: {  	p1 =	seq.s32 s22, $0xF;
	v0 =	vmul.f32 v2, v0  }
0x108: {  	s0 =	sshll.u32 s22, $0x7;
	s1 =	sadd.s32 @!p1 s23, s8;
	[tilespmem:s24+$0xFFFFFFF0] =	vst v1  }
0x109: {  	s13 =	sadd.s32 s0, s7;
	s1 =	smul.u32 @!p1 $0x64, s1;
	[tilespmem:s24+$0x0] =	vst v0  }
0x10a: {  	[hbm4b:s13+s2] =	stream.linear.scatter [tilespmem:s16], [sflag:$0x3], $0x200, $0x38;
	[tilespmem:$0xD240] =	vst v63  }
0x10b: {  	s1 =	sadd.s32 @!p1 s3, s1;
	s13 =	simm.s32 @!p1 $0x0  }
0x10c: {  	[tilespmem:s13], [sflag:$0x5] =	stream.linear.gather @!p1 [hbm4b:s1+s13], $0x320, $0x38;
	[tilespmem:$0xD240] =	vst v63  }
0x10d: {  	s1 =	simm.s32 @!p1 $0x5  }
0x10e: {  	_ =	swait.ge @!p1 [sflag:s1], $0x320  }
0x10f: {  	[sflag:s1] =	ssyncset.done @!p1 $0x0  }
0x110: {  	s24 =	simm.s32 @!p1 $0x640;
	[sflag:s1] =	ssyncadd.s32 @!p1 $0xFFFFFCE0;
	s1 =	simm.s32 @!p1 $0x320  }
0x111: {  	[tilespmem:s24], [sflag:$0x1] =	stream.indirect.gather @!p1 [hbm4b:s4+s1], $0x20, s13, s1, $0xb8;
	[tilespmem:$0xD240] =	vst v63  }
0x112: {  	_ =	swait.ge [sflag:s17], $0x6400  }
0x113: {  	[sflag:s17] =	ssyncset.done $0x0  }
0x114: {  	s1 =	simm.s32 @!p0 $0x4;
	[sflag:s17] =	ssyncadd.s32 $0xFFFF9C00  }
0x115: {  	_ =	swait.ge @!p0 [sflag:s1], $0x200  }
0x116: {  	[sflag:s1] =	ssyncset.done @!p0 $0x0  }
0x117: {  	s29 =	simm.s32 $0x6D60;
	[sflag:s1] =	ssyncadd.s32 @!p0 $0xFFFFFE00  }
0x118: {  	v3 =	vld [tilespmem:s29+$0xFFFFFD50]  }
0x119: {  	v2 =	vld [tilespmem:s29+$0xFFFFFCE0]  }
0x11a: {  	v4 =	vld [tilespmem:s29+$0xFFFFFD40]  }
0x11b: {  	v5 =	vld [tilespmem:s29+$0xFFFFFD30]  }
0x11c: {  	v6 =	vld [tilespmem:s29+$0xFFFFFD20]  }
0x11d: {  	v7 =	vld [tilespmem:s29+$0xFFFFFD10]  }
0x11e: {  	v8 =	vld [tilespmem:s29+$0xFFFFFCF0]  }
0x11f: {  	v9 =	vld [tilespmem:s29+$0xFFFFFD00]  }
0x120: {  	v1 =	vld [tilespmem:s29+$0x180]  }
0x121: {  	s25 =	simm.s32 $0x10;
	s24 =	simm.s32 $0x0;
	v0 =	vld [tilespmem:s29+$0x1F0]  }
0x122: {  	s26 =	simm.s32 $0x20;
	s13 =	sand.u32 $0x7F8, s25;
	s1 =	sand.u32 $0x6, s24;
	v12 =	vld [tilespmem:s29+$0xFFFFFD60];
	v2 =	vadd.f32 $0.0e+00, v2  }
0x123: {  	s24 =	sand.u32 $0x7F8, s26;
	s13 =	sor.u32 s1, s13;
	v63 =	vld [tilespmem:s29+$0xFFFFFE90];
	v8 =	vadd.f32 $0.0e+00, v8  }
0x124: {  	s1 =	sor.u32 s1, s24;
	v10 =	vld [tilespmem:s13+$0x320];
	v9 =	vadd.f32 v9, v2  }
0x125: {  	v11 =	vld [tilespmem:s1+$0x320];
	v7 =	vadd.f32 v7, v8  }
0x126: {  	v8 =	vld [tilespmem:s29+$0xFFFFFD70];
	v6 =	vadd.f32 v6, v9  }
0x127: {  	v5 =	vadd.f32 v5, v7;
	v7 =	vld [tilespmem:s29+$0xFFFFFD80]  }
0x128: {  	v4 =	vadd.f32 v4, v6;
	v6 =	vld [tilespmem:s29+$0xFFFFFD90]  }
0x129: {  	v3 =	vadd.f32 v3, v5;
	v5 =	vld [tilespmem:s29+$0xFFFFFDA0]  }
0x12a: {  	v9 =	vld [tilespmem:s29+$0xFFFFFDB0];
	v4 =	vadd.f32 v12, v4  }
0x12b: {  	v3 =	vadd.f32 v8, v3;
	v8 =	vld [tilespmem:s29+$0xFFFFFDC0]  }
0x12c: {  	v4 =	vadd.f32 v7, v4;
	v7 =	vld [tilespmem:s29+$0xFFFFFDD0]  }
0x12d: {  	v3 =	vadd.f32 v6, v3;
	v6 =	vld [tilespmem:s29+$0xFFFFFDE0]  }
0x12e: {  	v4 =	vadd.f32 v5, v4;
	v5 =	vld [tilespmem:s29+$0xFFFFFDF0]  }
0x12f: {  	v3 =	vadd.f32 v9, v3;
	v9 =	vld [tilespmem:s29+$0xFFFFFE00]  }
0x130: {  	v4 =	vadd.f32 v8, v4;
	v8 =	vld [tilespmem:s29+$0xFFFFFE10]  }
0x131: {  	v3 =	vadd.f32 v7, v3;
	v7 =	vld [tilespmem:s29+$0xFFFFFE20]  }
0x132: {  	v4 =	vadd.f32 v6, v4;
	v6 =	vld [tilespmem:s29+$0xFFFFFE30]  }
0x133: {  	v3 =	vadd.f32 v5, v3;
	v5 =	vld [tilespmem:s29+$0xFFFFFE40]  }
0x134: {  	v4 =	vadd.f32 v9, v4;
	v9 =	vld [tilespmem:s29+$0xFFFFFE50]  }
0x135: {  	v3 =	vadd.f32 v8, v3;
	v8 =	vld [tilespmem:s29+$0xFFFFFE60]  }
0x136: {  	v4 =	vadd.f32 v7, v4;
	v7 =	vld [tilespmem:s29+$0xFFFFFE70]  }
0x137: {  	v3 =	vadd.f32 v6, v3;
	v6 =	vld [tilespmem:s29+$0xFFFFFE80]  }
0x138: {  	v2 =	vld [tilespmem:s29+$0xFFFFFF20];
	v4 =	vadd.f32 v5, v4  }
0x139: {  	v3 =	vadd.f32 v9, v3;
	v9 =	vld [tilespmem:s29+$0xFFFFFEA0]  }
0x13a: {  	v4 =	vadd.f32 v8, v4;
	v8 =	vld [tilespmem:s29+$0xFFFFFEB0]  }
0x13b: {  	v3 =	vadd.f32 v7, v3;
	v7 =	vld [tilespmem:s29+$0xFFFFFEC0]  }
0x13c: {  	v5 =	vld [tilespmem:s29+$0xFFFFFED0];
	v6 =	vadd.f32 v6, v4  }
0x13d: {  	v4 =	vld [tilespmem:s29+$0xFFFFFEE0];
	v12 =	vadd.f32 v63, v3  }
0x13e: {  	s30 =	simm.s32 $0xD050;
	v3 =	vld [tilespmem:s29+$0xFFFFFEF0];
	v9 =	vadd.f32 v9, v6  }
0x13f: {  	s31 =	simm.s32 $0x342;
	s28 =	simm.s32 $0x342;
	s25 =	simm.s32 $0xD050;
	v6 =	vld [tilespmem:s29+$0xFFFFFF00];
	v8 =	vadd.f32 v8, v12  }
0x140: {  	s26 =	simm.s32 $0x6D60;
	s24 =	sor.u32 $0x40, s0;
	s1 =	simm.s32 $0x52;
	vm2 =	vne.s32 v10, $0x0;
	vm1 =	vne.s32 v11, $0x0;
	v9 =	vadd.f32 v7, v9;
	v7 =	vld [tilespmem:s29+$0xFFFFFF10]  }
.LBB2_5:
0x141: {  	v5 =	vadd.f32 v5, v8;
	s30 =	sadd.s32 $0x20, s30;
	s29 =	sadd.s32 $0x640, s29;
	s31 =	sadd.s32 $0x32, s31  }
0x142: {  	p0 =	sne.s32 s1, $0x30E;
	s0 =	smov.u32 s1;
	s1 =	sadd.s32 $0x32, s1;
	v4 =	vadd.f32 v4, v9;
	v8 =	vld [tilespmem:s26+$0xFFFFFF30]  }
0x143: {  	v3 =	vadd.f32 v3, v5;
	v5 =	vld [tilespmem:s26+$0xFFFFFF40]  }
0x144: {  	v4 =	vadd.f32 v6, v4;
	v6 =	vld [tilespmem:s26+$0xFFFFFF50]  }
0x145: {  	v3 =	vadd.f32 v7, v3;
	v7 =	vld [tilespmem:s26+$0xFFFFFF60]  }
0x146: {  	v2 =	vadd.f32 v2, v4;
	v4 =	vld [tilespmem:s26+$0xFFFFFF70]  }
0x147: {  	v3 =	vadd.f32 v8, v3;
	v8 =	vld [tilespmem:s26+$0xFFFFFF80]  }
0x148: {  	v2 =	vadd.f32 v5, v2;
	v5 =	vld [tilespmem:s26+$0xFFFFFF90]  }
0x149: {  	v3 =	vadd.f32 v6, v3;
	v6 =	vld [tilespmem:s26+$0xFFFFFFA0]  }
0x14a: {  	v2 =	vadd.f32 v7, v2;
	v7 =	vld [tilespmem:s26+$0xFFFFFFB0]  }
0x14b: {  	v3 =	vadd.f32 v4, v3;
	v4 =	vld [tilespmem:s26+$0xFFFFFFC0]  }
0x14c: {  	v2 =	vadd.f32 v8, v2;
	v8 =	vld [tilespmem:s26+$0xFFFFFFD0]  }
0x14d: {  	v3 =	vadd.f32 v5, v3;
	v5 =	vld [tilespmem:s26+$0xFFFFFFE0]  }
0x14e: {  	v2 =	vadd.f32 v6, v2;
	v6 =	vld [tilespmem:s26+$0xFFFFFFF0]  }
0x14f: {  	v3 =	vadd.f32 v7, v3;
	v7 =	vld [tilespmem:s26+$0x0]  }
0x150: {  	v2 =	vadd.f32 v4, v2;
	v4 =	vld [tilespmem:s26+$0x10]  }
0x151: {  	v3 =	vadd.f32 v8, v3;
	v8 =	vld [tilespmem:s26+$0x20]  }
0x152: {  	v2 =	vadd.f32 v5, v2;
	v5 =	vld [tilespmem:s26+$0x30]  }
0x153: {  	v3 =	vadd.f32 v6, v3;
	v6 =	vld [tilespmem:s26+$0x40]  }
0x154: {  	v2 =	vadd.f32 v7, v2;
	v7 =	vld [tilespmem:s26+$0x50]  }
0x155: {  	v3 =	vadd.f32 v4, v3;
	v4 =	vld [tilespmem:s26+$0x60]  }
0x156: {  	v2 =	vadd.f32 v8, v2;
	v8 =	vld [tilespmem:s26+$0x70]  }
0x157: {  	v3 =	vadd.f32 v5, v3;
	v5 =	vld [tilespmem:s26+$0x80]  }
0x158: {  	v2 =	vadd.f32 v6, v2;
	v6 =	vld [tilespmem:s26+$0x90]  }
0x159: {  	v3 =	vadd.f32 v7, v3;
	v7 =	vld [tilespmem:s26+$0xA0]  }
0x15a: {  	v2 =	vadd.f32 v4, v2;
	v4 =	vld [tilespmem:s26+$0xB0]  }
0x15b: {  	v3 =	vadd.f32 v8, v3;
	v8 =	vld [tilespmem:s26+$0xC0]  }
0x15c: {  	v2 =	vadd.f32 v5, v2;
	v5 =	vld [tilespmem:s26+$0xD0]  }
0x15d: {  	v3 =	vadd.f32 v6, v3;
	v6 =	vld [tilespmem:s26+$0xE0]  }
0x15e: {  	v2 =	vadd.f32 v7, v2;
	v7 =	vld [tilespmem:s26+$0xF0]  }
0x15f: {  	v3 =	vadd.f32 v4, v3;
	v4 =	vld [tilespmem:s26+$0x100]  }
0x160: {  	v2 =	vadd.f32 v8, v2;
	v8 =	vld [tilespmem:s26+$0x110]  }
0x161: {  	v3 =	vadd.f32 v5, v3;
	v5 =	vld [tilespmem:s26+$0x120]  }
0x162: {  	v2 =	vadd.f32 v6, v2;
	v6 =	vld [tilespmem:s26+$0x130]  }
0x163: {  	v3 =	vadd.f32 v7, v3;
	v7 =	vld [tilespmem:s26+$0x140]  }
0x164: {  	v2 =	vadd.f32 v4, v2;
	v4 =	vld [tilespmem:s26+$0x150]  }
0x165: {  	v3 =	vadd.f32 v8, v3;
	v8 =	vld [tilespmem:s26+$0x160]  }
0x166: {  	v2 =	vadd.f32 v5, v2;
	v5 =	vld [tilespmem:s26+$0x170]  }
0x167: {  	v3 =	vadd.f32 v6, v3;
	v6 =	vld [tilespmem:s28+$0x0]  }
0x168: {  	v2 =	vadd.f32 v7, v2;
	v7 =	vld [tilespmem:s26+$0x190]  }
0x169: {  	v3 =	vadd.f32 v4, v3;
	v4 =	vld [tilespmem:s26+$0x1A0]  }
0x16a: {  	v2 =	vadd.f32 v8, v2;
	v8 =	vld [tilespmem:s26+$0x1B0]  }
0x16b: {  	v3 =	vadd.f32 v5, v3;
	v5 =	vld [tilespmem:s26+$0x1C0]  }
0x16c: {  	v1 =	vadd.f32 v1, v2;
	v2 =	vld [tilespmem:s26+$0x1D0];
	vm3 =	vne.s32 v6, $0x0  }
0x16d: {  	v3 =	vadd.f32 v7, v3;
	v6 =	vld [tilespmem:s26+$0x1E0];
	vm3 =	vmand vm3, vm0  }
0x16e: {  	v1 =	vadd.f32 v4, v1;
	v4 =	vld [tilespmem:s28+$0xFFFFFFDE];
	s28 =	smov.u32 s31  }
0x16f: {  	v3 =	vadd.f32 v8, v3;
	v7 =	vld [tilespmem:s26+$0x200]  }
0x170: {  	v1 =	vadd.f32 v5, v1;
	v5 =	vld [tilespmem:s26+$0x210]  }
0x171: {  	v2 =	vadd.f32 v2, v3;
	v3 =	vld [tilespmem:s26+$0x220]  }
0x172: {  	v1 =	vadd.f32 v6, v1;
	v6 =	vld [tilespmem:s26+$0x230]  }
0x173: {  	v0 =	vadd.f32 v0, v2;
	v2 =	vld [tilespmem:s26+$0x240];
	vm4 =	vne.s32 v4, $0x0  }
0x174: {  	v8 =	vmpcnt.ones.xlane vm2;
	v1 =	vadd.f32 v7, v1;
	v4 =	vld [tilespmem:s26+$0x250];
	v7 =	vmpcnt.ones.xlane vm4  }
0x175: {  	v9 =	vmpcnt.ones.xlane vm1;
	v0 =	vadd.f32 v5, v0;
	v5 =	vld [tilespmem:s26+$0x260]  }
0x176: {  	v1 =	vadd.f32 v3, v1;
	v3 =	vld [tilespmem:s26+$0x270];
	v7 =	vadd.s32 v7, v8;
	v8 =	vmpcnt.ones.xlane vm3  }
0x177: {  	v0 =	vadd.f32 v6, v0;
	v6 =	vld [tilespmem:s26+$0x280];
	v7 =	vadd.s32 v9, v7  }
0x178: {  	v1 =	vadd.f32 v2, v1;
	v2 =	vld [tilespmem:s26+$0x290];
	v7 =	vadd.s32 v8, v7  }
0x179: {  	v0 =	vadd.f32 v4, v0;
	v4 =	vld [tilespmem:s26+$0x2A0];
	v7 =	vcvt.s32.f32 v7  }
0x17a: {  	v1 =	vadd.f32 v5, v1;
	v5 =	vld [tilespmem:s26+$0x2B0]  }
0x17b: {  	v0 =	vadd.f32 v3, v0;
	v3 =	vld [tilespmem:s26+$0x2C0];
	v7 =	vmax.f32 v7, $1.000000000e+00  }
0x17c: {  	v1 =	vadd.f32 v6, v1;
	v6 =	vld [tilespmem:s26+$0x2D0];
	(erf) = vrcp.f32 v7  }
0x17d: {  	v0 =	vadd.f32 v2, v0;
	v2 =	vld [tilespmem:s26+$0x2E0]  }
0x17e: {  	v1 =	vadd.f32 v4, v1;
	v4 =	vld [tilespmem:s26+$0x2F0]  }
0x17f: {  	v0 =	vadd.f32 v5, v0;
	v5 =	vld [tilespmem:s26+$0x300]  }
0x180: {  	v1 =	vadd.f32 v3, v1;
	v3 =	vld [tilespmem:s26+$0x310];
	s26 =	smov.u32 s29  }
0x181: {  	v0 =	vadd.f32 v6, v0  }
0x182: {  	v1 =	vadd.f32 v2, v1  }
0x183: {  	v0 =	vadd.f32 v4, v0  }
0x184: {  	v1 =	vadd.f32 v5, v1  }
0x185: {  	v0 =	vadd.f32 v3, v0;
	v2 =	vpop (erf)  }
0x186: {  	v1 =	vmul.f32 v2, v1  }
0x187: {  	v0 =	vmul.f32 v2, v0  }
0x188: {  	[tilespmem:s25+$0xFFFFFFF0] =	vst v1  }
0x189: {  	[tilespmem:s25+$0x0] =	vst v0;
	s25 =	smov.u32 s30  }
0x18a: {  	v3 =	vld [tilespmem:s29+$0xFFFFFD50]  }
0x18b: {  	v0 =	vld [tilespmem:s29+$0xFFFFFCE0]  }
0x18c: {  	v4 =	vld [tilespmem:s29+$0xFFFFFD40]  }
0x18d: {  	v5 =	vld [tilespmem:s29+$0xFFFFFD30]  }
0x18e: {  	v6 =	vld [tilespmem:s29+$0xFFFFFD20]  }
0x18f: {  	v2 =	vld [tilespmem:s29+$0xFFFFFD10]  }
0x190: {  	v7 =	vadd.f32 $0.0e+00, v0;
	v8 =	vld [tilespmem:s29+$0xFFFFFCF0]  }
0x191: {  	s13 =	sadd.s32 $0xFFFFFFE0, s0;
	s6 =	sadd.s32 $0xFFFFFFF0, s0;
	v9 =	vld [tilespmem:s29+$0xFFFFFD00]  }
0x192: {  	s6 =	sand.u32 $0x7F8, s6;
	s13 =	sand.u32 $0x6, s13;
	v1 =	vld [tilespmem:s29+$0x180]  }
0x193: {  	s0 =	sand.u32 $0x7F8, s0;
	s6 =	sor.u32 s13, s6;
	v0 =	vld [tilespmem:s29+$0x1F0]  }
0x194: {  	s0 =	sor.u32 s13, s0;
	v10 =	vld [tilespmem:s6+$0x320]  }
0x195: {  	v8 =	vadd.f32 $0.0e+00, v8;
	v11 =	vld [tilespmem:s0+$0x320]  }
0x196: {  	v7 =	vadd.f32 v9, v7;
	v9 =	vld [tilespmem:s29+$0xFFFFFD60]  }
0x197: {  	v8 =	vadd.f32 v2, v8;
	v2 =	vld [tilespmem:s29+$0xFFFFFF20]  }
0x198: {  	v6 =	vadd.f32 v6, v7;
	v7 =	vld [tilespmem:s29+$0xFFFFFD70]  }
0x199: {  	v5 =	vadd.f32 v5, v8;
	v8 =	vld [tilespmem:s29+$0xFFFFFD80];
	vm2 =	vne.s32 v10, $0x0  }
0x19a: {  	v4 =	vadd.f32 v4, v6;
	v6 =	vld [tilespmem:s29+$0xFFFFFD90];
	vm1 =	vne.s32 v11, $0x0  }
0x19b: {  	v3 =	vadd.f32 v3, v5;
	v5 =	vld [tilespmem:s29+$0xFFFFFDA0]  }
0x19c: {  	v4 =	vadd.f32 v9, v4;
	v9 =	vld [tilespmem:s29+$0xFFFFFDB0]  }
0x19d: {  	v3 =	vadd.f32 v7, v3;
	v7 =	vld [tilespmem:s29+$0xFFFFFDC0]  }
0x19e: {  	v4 =	vadd.f32 v8, v4;
	v8 =	vld [tilespmem:s29+$0xFFFFFDD0]  }
0x19f: {  	v3 =	vadd.f32 v6, v3;
	v6 =	vld [tilespmem:s29+$0xFFFFFDE0]  }
0x1a0: {  	v4 =	vadd.f32 v5, v4;
	v5 =	vld [tilespmem:s29+$0xFFFFFDF0]  }
0x1a1: {  	v3 =	vadd.f32 v9, v3;
	v9 =	vld [tilespmem:s29+$0xFFFFFE00]  }
0x1a2: {  	v4 =	vadd.f32 v7, v4;
	v7 =	vld [tilespmem:s29+$0xFFFFFE10]  }
0x1a3: {  	v3 =	vadd.f32 v8, v3;
	v8 =	vld [tilespmem:s29+$0xFFFFFE20]  }
0x1a4: {  	v4 =	vadd.f32 v6, v4;
	v6 =	vld [tilespmem:s29+$0xFFFFFE30]  }
0x1a5: {  	v3 =	vadd.f32 v5, v3;
	v5 =	vld [tilespmem:s29+$0xFFFFFE40]  }
0x1a6: {  	v4 =	vadd.f32 v9, v4;
	v9 =	vld [tilespmem:s29+$0xFFFFFE50]  }
0x1a7: {  	v3 =	vadd.f32 v7, v3;
	v7 =	vld [tilespmem:s29+$0xFFFFFE60]  }
0x1a8: {  	v4 =	vadd.f32 v8, v4;
	v8 =	vld [tilespmem:s29+$0xFFFFFE70]  }
0x1a9: {  	v3 =	vadd.f32 v6, v3;
	v6 =	vld [tilespmem:s29+$0xFFFFFE80]  }
0x1aa: {  	v4 =	vadd.f32 v5, v4;
	v10 =	vld [tilespmem:s29+$0xFFFFFE90]  }
0x1ab: {  	v3 =	vadd.f32 v9, v3;
	v9 =	vld [tilespmem:s29+$0xFFFFFEA0]  }
0x1ac: {  	v4 =	vadd.f32 v7, v4;
	v7 =	vld [tilespmem:s29+$0xFFFFFEB0]  }
0x1ad: {  	v3 =	vadd.f32 v8, v3;
	v11 =	vld [tilespmem:s29+$0xFFFFFEC0]  }
.Ltmp3:
0x1ae: {  	v6 =	vadd.f32 v6, v4;
	v5 =	vld [tilespmem:s29+$0xFFFFFED0];
	(pc) =	sbr.rel @p0 .LBB2_5-.Ltmp3, $4  }
0x1af: {  	v8 =	vadd.f32 v10, v3;
	v4 =	vld [tilespmem:s29+$0xFFFFFEE0]  }
0x1b0: {  	v9 =	vadd.f32 v9, v6;
	v3 =	vld [tilespmem:s29+$0xFFFFFEF0]  }
0x1b1: {  	v8 =	vadd.f32 v7, v8;
	v6 =	vld [tilespmem:s29+$0xFFFFFF00]  }
0x1b2: {  	v9 =	vadd.f32 v11, v9;
	v7 =	vld [tilespmem:s29+$0xFFFFFF10]  }
0x1b3: {  	v5 =	vadd.f32 v5, v8  }
0x1b4: {  	v48 =	vld [tilespmem:s26+$0xFFFFFF30];
	v4 =	vadd.f32 v4, v9  }
0x1b5: {  	v49 =	vld [tilespmem:s26+$0xFFFFFF40];
	v3 =	vadd.f32 v3, v5  }
0x1b6: {  	v50 =	vld [tilespmem:s26+$0xFFFFFF50];
	v4 =	vadd.f32 v6, v4  }
0x1b7: {  	v51 =	vld [tilespmem:s26+$0xFFFFFF60];
	v3 =	vadd.f32 v7, v3  }
0x1b8: {  	v52 =	vld [tilespmem:s26+$0xFFFFFF70];
	v2 =	vadd.f32 v2, v4  }
0x1b9: {  	v53 =	vld [tilespmem:s26+$0xFFFFFF80];
	v3 =	vadd.f32 v48, v3  }
0x1ba: {  	v54 =	vld [tilespmem:s26+$0xFFFFFF90];
	v2 =	vadd.f32 v49, v2  }
0x1bb: {  	v55 =	vld [tilespmem:s26+$0xFFFFFFA0];
	v3 =	vadd.f32 v50, v3  }
0x1bc: {  	v56 =	vld [tilespmem:s26+$0xFFFFFFB0];
	v2 =	vadd.f32 v51, v2  }
0x1bd: {  	v57 =	vld [tilespmem:s26+$0xFFFFFFC0];
	v3 =	vadd.f32 v52, v3  }
0x1be: {  	v58 =	vld [tilespmem:s26+$0xFFFFFFD0];
	v2 =	vadd.f32 v53, v2  }
0x1bf: {  	v59 =	vld [tilespmem:s26+$0xFFFFFFE0];
	v3 =	vadd.f32 v54, v3  }
0x1c0: {  	v60 =	vld [tilespmem:s26+$0xFFFFFFF0];
	v2 =	vadd.f32 v55, v2  }
0x1c1: {  	v61 =	vld [tilespmem:s26+$0x0];
	v3 =	vadd.f32 v56, v3  }
0x1c2: {  	v62 =	vld [tilespmem:s26+$0x10];
	v2 =	vadd.f32 v57, v2  }
0x1c3: {  	v63 =	vld [tilespmem:s26+$0x20];
	v3 =	vadd.f32 v58, v3  }
0x1c4: {  	v12 =	vld [tilespmem:s26+$0x30];
	v2 =	vadd.f32 v59, v2  }
0x1c5: {  	v13 =	vld [tilespmem:s26+$0x40];
	v3 =	vadd.f32 v60, v3  }
0x1c6: {  	v14 =	vld [tilespmem:s26+$0x50];
	v2 =	vadd.f32 v61, v2  }
0x1c7: {  	v15 =	vld [tilespmem:s26+$0x60];
	v3 =	vadd.f32 v62, v3  }
0x1c8: {  	v16 =	vld [tilespmem:s26+$0x70];
	v2 =	vadd.f32 v63, v2  }
0x1c9: {  	v17 =	vld [tilespmem:s26+$0x80];
	v3 =	vadd.f32 v12, v3  }
0x1ca: {  	v18 =	vld [tilespmem:s26+$0x90];
	v2 =	vadd.f32 v13, v2  }
0x1cb: {  	v19 =	vld [tilespmem:s26+$0xA0];
	v3 =	vadd.f32 v14, v3  }
0x1cc: {  	v20 =	vld [tilespmem:s26+$0xB0];
	v2 =	vadd.f32 v15, v2  }
0x1cd: {  	v21 =	vld [tilespmem:s26+$0xC0];
	v3 =	vadd.f32 v16, v3  }
0x1ce: {  	v22 =	vld [tilespmem:s26+$0xD0];
	v2 =	vadd.f32 v17, v2  }
0x1cf: {  	v23 =	vld [tilespmem:s26+$0xE0];
	v3 =	vadd.f32 v18, v3  }
0x1d0: {  	v24 =	vld [tilespmem:s26+$0xF0];
	v2 =	vadd.f32 v19, v2  }
0x1d1: {  	v25 =	vld [tilespmem:s26+$0x100];
	v3 =	vadd.f32 v20, v3  }
0x1d2: {  	v26 =	vld [tilespmem:s26+$0x110];
	v2 =	vadd.f32 v21, v2  }
0x1d3: {  	v27 =	vld [tilespmem:s26+$0x120];
	v3 =	vadd.f32 v22, v3  }
0x1d4: {  	v28 =	vld [tilespmem:s26+$0x130];
	v2 =	vadd.f32 v23, v2  }
0x1d5: {  	v29 =	vld [tilespmem:s26+$0x140];
	v3 =	vadd.f32 v24, v3  }
0x1d6: {  	v30 =	vld [tilespmem:s26+$0x150];
	v2 =	vadd.f32 v25, v2  }
0x1d7: {  	v31 =	vld [tilespmem:s26+$0x160];
	v3 =	vadd.f32 v26, v3  }
0x1d8: {  	v32 =	vld [tilespmem:s26+$0x170];
	v2 =	vadd.f32 v27, v2  }
0x1d9: {  	v33 =	vld [tilespmem:s28+$0x0];
	v3 =	vadd.f32 v28, v3  }
0x1da: {  	v34 =	vld [tilespmem:s26+$0x190];
	v2 =	vadd.f32 v29, v2  }
0x1db: {  	v35 =	vld [tilespmem:s26+$0x1A0];
	v3 =	vadd.f32 v30, v3  }
0x1dc: {  	v36 =	vld [tilespmem:s26+$0x1B0];
	v2 =	vadd.f32 v31, v2  }
0x1dd: {  	v37 =	vld [tilespmem:s26+$0x1C0];
	v3 =	vadd.f32 v32, v3  }
0x1de: {  	v38 =	vld [tilespmem:s26+$0x1D0];
	v1 =	vadd.f32 v1, v2  }
0x1df: {  	v39 =	vld [tilespmem:s26+$0x1E0];
	v3 =	vadd.f32 v34, v3  }
0x1e0: {  	v40 =	vld [tilespmem:s28+$0xFFFFFFDE];
	v1 =	vadd.f32 v35, v1  }
0x1e1: {  	v41 =	vld [tilespmem:s26+$0x200];
	v3 =	vadd.f32 v36, v3  }
0x1e2: {  	v42 =	vld [tilespmem:s26+$0x210];
	v1 =	vadd.f32 v37, v1  }
0x1e3: {  	v43 =	vld [tilespmem:s26+$0x220];
	v2 =	vadd.f32 v38, v3  }
0x1e4: {  	v44 =	vld [tilespmem:s26+$0x230];
	v1 =	vadd.f32 v39, v1  }
0x1e5: {  	v45 =	vld [tilespmem:s26+$0x240];
	vm3 =	vne.s32 v33, $0x0;
	vm4 =	vne.s32 v40, $0x0;
	v0 =	vadd.f32 v0, v2  }
0x1e6: {  	v46 =	vld [tilespmem:s26+$0x250];
	v47 =	vmpcnt.ones.xlane vm4;
	v48 =	vmpcnt.ones.xlane vm2;
	v1 =	vadd.f32 v41, v1  }
0x1e7: {  	vm2 =	vmand vm3, vm0;
	v49 =	vld [tilespmem:s26+$0x260];
	v50 =	vmpcnt.ones.xlane vm1;
	v0 =	vadd.f32 v42, v0  }
0x1e8: {  	v6 =	vadd.s32 v47, v48;
	v51 =	vld [tilespmem:s26+$0x270];
	v52 =	vmpcnt.ones.xlane vm2;
	v1 =	vadd.f32 v43, v1  }
0x1e9: {  	v6 =	vadd.s32 v50, v6;
	v53 =	vld [tilespmem:s26+$0x280];
	v0 =	vadd.f32 v44, v0  }
0x1ea: {  	v54 =	vld [tilespmem:s26+$0x290];
	v6 =	vadd.s32 v52, v6;
	v1 =	vadd.f32 v45, v1  }
0x1eb: {  	v55 =	vld [tilespmem:s26+$0x2A0];
	v6 =	vcvt.s32.f32 v6;
	v0 =	vadd.f32 v46, v0  }
0x1ec: {  	v56 =	vld [tilespmem:s26+$0x2B0];
	v1 =	vadd.f32 v49, v1  }
0x1ed: {  	v57 =	vld [tilespmem:s26+$0x2C0];
	v6 =	vmax.f32 v6, $1.000000000e+00;
	v0 =	vadd.f32 v51, v0  }
0x1ee: {  	v58 =	vld [tilespmem:s26+$0x2D0];
	(erf) = vrcp.f32 v6;
	v1 =	vadd.f32 v53, v1  }
0x1ef: {  	v59 =	vld [tilespmem:s26+$0x2E0];
	v0 =	vadd.f32 v54, v0  }
0x1f0: {  	v60 =	vld [tilespmem:s26+$0x2F0];
	v1 =	vadd.f32 v55, v1  }
0x1f1: {  	v61 =	vld [tilespmem:s26+$0x300];
	v0 =	vadd.f32 v56, v0  }
0x1f2: {  	v62 =	vld [tilespmem:s26+$0x310];
	v1 =	vadd.f32 v57, v1  }
0x1f3: {  	v0 =	vadd.f32 v58, v0  }
0x1f4: {  	v1 =	vadd.f32 v59, v1  }
0x1f5: {  	v0 =	vadd.f32 v60, v0  }
0x1f6: {  	v1 =	vadd.f32 v61, v1  }
0x1f7: {  	v63 =	vpop (erf);
	v0 =	vadd.f32 v62, v0  }
.Ltmp4:
0x1f8: {  	v1 =	vmul.f32 v63, v1;
	(pc) =	sbr.rel @p1 .LBB2_8-.Ltmp4, $4  }
0x1f9: {  	v0 =	vmul.f32 v63, v0  }
0x1fa: {  	[tilespmem:s25+$0xFFFFFFF0] =	vst v1  }
0x1fb: {  	s0 =	sadd.s32 s24, s7;
	[tilespmem:s25+$0x0] =	vst v0  }
0x1fc: {  	[hbm4b:s0+s2] =	stream.linear.scatter [tilespmem:s18], [sflag:$0x4], $0x200, $0x38;
	[tilespmem:$0xD240] =	vst v63  }
0x1fd: {  	s0 =	sadd.s32 s23, s9  }
0x1fe: {  	s0 =	smul.u32 $0x64, s0;
	_ =	sdelay $0x1  }
0x1ff: {  	s0 =	sadd.s32 s3, s0  }
0x200: {  	[tilespmem:s12], [sflag:$0x5] =	stream.linear.gather [hbm4b:s0+s2], $0x320, $0x38;
	[tilespmem:$0xD240] =	vst v63  }
.Ltmp5:
0x201: {  	_ = 	snop;
	(pc) =	sbr.rel .LBB2_2-.Ltmp5, $4  }
0x202: {  	_ =	swait.ge [sflag:s11], $0x320  }
0x203: {  	[sflag:s11] =	ssyncset.done $0x0  }
0x204: {  	s22 =	sadd.s32 $0x1, s22;
	[sflag:s11] =	ssyncadd.s32 $0xFFFFFCE0  }
0x205: {  	[tilespmem:s14], [sflag:$0x2] =	stream.indirect.gather [hbm4b:s4+s12], $0x20, s12, s12, $0xb8;
	[tilespmem:$0xD240] =	vst v63  }
.LBB2_9:
0x206: {  	_ =	sfence.sel $0x180000  }
0x207: {  	[bflag:$0x0] =	sbarrier.arrive $0xFFFF  }
0x208: {  	_ =	strace $0x90000047  }
0x209: {  	s0 =	stileid.u32;
	[bflag:$0x2] =	sbarrier.arrive $0xFFFF  }
0x20a: {  	p0 =	sne.s32 s0, $0x0;
	s0 =	rddreg [dreg:$0x2]  }
0x20b: {  	s0 =	sadd.s32 @!p0 $0x100000, s0  }
0x20c: {  	[sflag:s0] =	ssyncadd.tile.s32 @!p0 $0x1;
	_ =	shalt  }
.Lfunc_end2:
_tile_overlayer_lowered:
.L_overlay_start_2:
0x20d: {  	(tag) =	ssettag $0x2  }
0x20e: {  	s0 =	rddreg [dreg:$0x0];
	s2 =	stileid.u32  }
0x20f: {  	s1 =	rddreg [dreg:$0x1];
	p0 =	sne.s32 s2, $0x0  }
0x210: {  	s3 =	rddreg [dreg:$0x2];
	[bflag:$0x3] =	sbarrier.arrive $0xFFFF;
	s2 =	simm.s32 @!p0 $0x1C05  }
0x211: {  	[timem:s3], [sflag:s2] =	dma.local @!p0 [hbm:s0], s1  }
0x212: {  	s0 =	simm.s32 @!p0 $0x5  }
0x213: {  	_ =	swait.ge @!p0 [sflag:s0], s1  }
0x214: {  	s1 =	ssub.s32 @!p0 $0x0, s1;
	[sflag:s0] =	ssyncset.done @!p0 $0x0  }
0x215: {  	[sflag:s0] =	ssyncadd.s32 @!p0 s1  }
0x216: {  	[bflag:$0x3] =	sbarrier.arrive $0xFFFF  }
0x217: {  	_ =	shalt  }

</sc_bundles>
